<compile_context>
chip_gen: v7x
topology: tpu7x:2x2x1
jax: 0.10.2.dev20260603
libtpu: 0.0.44.dev20260713+nightly
codegen_flags: <defaults>
</compile_context>

<pallas_src>
import functools

import jax
import jax.numpy as jnp
from jax import lax
from jax.experimental import pallas as pl
from jax.experimental.pallas import tpu as pltpu
from jax.experimental.pallas import tpu_sc as plsc

VOCAB = 1000000
EMB = 64
BATCH = 16384
HIST = 50

_NW = 32
_BATCH_PER_W = BATCH // _NW
_G = 8
_NSLOT = 4
_NSTEPS = _BATCH_PER_W // _G

assert _BATCH_PER_W % _G == 0 and _NSTEPS % _NSLOT == 0

_mesh = plsc.VectorSubcoreMesh(core_axis_name="c", subcore_axis_name="s")

_scratch = (
    [pltpu.VMEM((_G, HIST), jnp.int32) for _ in range(_NSLOT)]
    + [pltpu.VMEM((_G, HIST, EMB), jnp.float32) for _ in range(_NSLOT)]
    + [pltpu.SemaphoreType.DMA for _ in range(3 * _NSLOT)]
)


@functools.partial(
    pl.kernel,
    out_type=jax.ShapeDtypeStruct((BATCH, HIST, EMB), jnp.float32),
    mesh=_mesh,
    scratch_types=_scratch,
    compiler_params=pltpu.CompilerParams(use_tc_tiling_on_sc=False),
)
def _gather_kernel(table_hbm, x_hbm, out_hbm, *refs):
    idx = refs[:_NSLOT]
    rows = refs[_NSLOT:2 * _NSLOT]
    si = refs[2 * _NSLOT:3 * _NSLOT]
    sg = refs[3 * _NSLOT:4 * _NSLOT]
    ss = refs[4 * _NSLOT:5 * _NSLOT]

    wid = lax.axis_index("s") * 2 + lax.axis_index("c")
    base_batch = wid * _BATCH_PER_W

    def idx_load(c, s):
        b0 = base_batch + c * _G
        pltpu.async_copy(x_hbm.at[pl.ds(b0, _G)], idx[s], si[s])

    def wait_idx(s):
        pltpu.make_async_copy(x_hbm.at[pl.ds(0, _G)], idx[s], si[s]).wait()

    def gathers(s):
        for i in range(_G):
            pltpu.async_copy(table_hbm.at[idx[s].at[i]], rows[s].at[i], sg[s])

    def wait_gathers(s):
        for i in range(_G):
            pltpu.make_async_copy(table_hbm.at[idx[s].at[0]], rows[s].at[i],
                                  sg[s]).wait()

    def store(c, s):
        b0 = base_batch + c * _G
        pltpu.async_copy(rows[s], out_hbm.at[pl.ds(b0, _G)], ss[s])

    def wait_store(s):
        pltpu.make_async_copy(rows[s], out_hbm.at[pl.ds(0, _G)], ss[s]).wait()

    for s in range(_NSLOT):
        idx_load(s, s)

    def body(j, _):
        c_base = _NSLOT * j

        for s in range(_NSLOT):
            wait_idx(s)

            @pl.when(j > 0)
            def _(s=s):
                wait_store(s)

            gathers(s)

        for s in range(_NSLOT):
            c = c_base + s
            wait_gathers(s)
            store(c, s)

            @pl.when(c + _NSLOT < _NSTEPS)
            def _(c=c, s=s):
                idx_load(c + _NSLOT, s)

        return 0

    lax.fori_loop(0, _NSTEPS // _NSLOT, body, 0)

    for s in range(_NSLOT):
        wait_store(s)


@jax.jit
def kernel(x, table):
    return _gather_kernel(table, x.astype(jnp.int32))

# --- scband reference (transcript-rebuilt; emitter-appended) ---
"""Pipeline reference for scband-tgt-text-embeddings-70377334112959 (READ-ONLY COPY).

The authoritative reference and input builder live on the scoring server;
editing this copy changes nothing except your own understanding.
"""

import jax, jax.numpy as jnp
import numpy as np

VOCAB = 1000000
EMB = 64
BATCH = 16384
HIST = 50

def setup_inputs(seed: int = 0) -> dict:
    key = jax.random.key(seed)
    k_idx, k_tab = jax.random.split(key)
    x = jax.random.randint(k_idx, (BATCH, HIST), 0, VOCAB, dtype=jnp.int64 if jax.config.jax_enable_x64 else jnp.int32)
    table = jax.random.normal(k_tab, (VOCAB, EMB), dtype=jnp.float32)
    return {"x": x, "table": table}

def reference(x, table):
    # nn.Embedding forward: row gather from embedding table
    return jnp.take(table, x, axis=0)

if __name__ == "__main__":
    import jax
    _d = setup_inputs()
    print(jax.jit(kernel)(*tuple(_d.values())))

</pallas_src>

<mosaic_0001>
#map = affine_map<(d0, d1) -> (0, 0)>
#map1 = affine_map<(d0, d1) -> (0, 0, 0)>
module attributes {stable_mosaic.version = 14 : i64} {
  func.func @_gather_kernel(%arg0: i32, %arg1: i32, %arg2: memref<1000000x64xf32, #tpu.memory_space<hbm>>, %arg3: memref<16384x50xi32, #tpu.memory_space<hbm>>, %arg4: memref<16384x50x64xf32, #tpu.memory_space<hbm>>, %arg5: memref<8x50xi32, #tpu.memory_space<vmem>>, %arg6: memref<8x50xi32, #tpu.memory_space<vmem>>, %arg7: memref<8x50xi32, #tpu.memory_space<vmem>>, %arg8: memref<8x50xi32, #tpu.memory_space<vmem>>, %arg9: memref<8x50x64xf32, #tpu.memory_space<vmem>>, %arg10: memref<8x50x64xf32, #tpu.memory_space<vmem>>, %arg11: memref<8x50x64xf32, #tpu.memory_space<vmem>>, %arg12: memref<8x50x64xf32, #tpu.memory_space<vmem>>, %arg13: memref<!tpu.dma_semaphore, #tpu.memory_space<semaphore_mem>>, %arg14: memref<!tpu.dma_semaphore, #tpu.memory_space<semaphore_mem>>, %arg15: memref<!tpu.dma_semaphore, #tpu.memory_space<semaphore_mem>>, %arg16: memref<!tpu.dma_semaphore, #tpu.memory_space<semaphore_mem>>, %arg17: memref<!tpu.dma_semaphore, #tpu.memory_space<semaphore_mem>>, %arg18: memref<!tpu.dma_semaphore, #tpu.memory_space<semaphore_mem>>, %arg19: memref<!tpu.dma_semaphore, #tpu.memory_space<semaphore_mem>>, %arg20: memref<!tpu.dma_semaphore, #tpu.memory_space<semaphore_mem>>, %arg21: memref<!tpu.dma_semaphore, #tpu.memory_space<semaphore_mem>>, %arg22: memref<!tpu.dma_semaphore, #tpu.memory_space<semaphore_mem>>, %arg23: memref<!tpu.dma_semaphore, #tpu.memory_space<semaphore_mem>>, %arg24: memref<!tpu.dma_semaphore, #tpu.memory_space<semaphore_mem>>) attributes {dimension_semantics = [#tpu.dimension_semantics<core_parallel>, #tpu.dimension_semantics<subcore_parallel>], iteration_bounds = array<i64: 2, 16>, scalar_prefetch = 0 : i64, scratch_operands = 20 : i64, tpu.core_type = #tpu.core_type<sc_vector_subcore>, window_params = [{transform_indices = #map}, {transform_indices = #map}, {transform_indices = #map1}]} {
    %mul3A = arith.constant 2 : i32
    %mul3A_0 = arith.muli %arg1, %mul3A : i32
    %add3A = arith.addi %mul3A_0, %arg0 : i32
    %mul3A_1 = arith.constant 512 : i32
    %mul3A_2 = arith.muli %add3A, %mul3A_1 : i32
    %add3A_3 = arith.constant 0 : i32
    %add3A_4 = arith.addi %mul3A_2, %add3A_3 : i32
    %dma_start3A = arith.constant 0 : i32
    %dma_start3A_5 = tpu.memref_slice %arg3[%add3A_4, %dma_start3A] : memref<16384x50xi32, #tpu.memory_space<hbm>> -> memref<8x50xi32, #tpu.memory_space<hbm>>
    %dma_start3A_6 = arith.constant 0 : i32
    %dma_start3A_7 = tpu.memref_slice %arg3[%add3A_4, %dma_start3A_6] : memref<16384x50xi32, #tpu.memory_space<hbm>> -> memref<8x50xi32, #tpu.memory_space<hbm>>
    tpu.enqueue_dma source(%dma_start3A_7 : memref<8x50xi32, #tpu.memory_space<hbm>>) target(%arg5 : memref<8x50xi32, #tpu.memory_space<vmem>>) target_semaphore(%arg13 : memref<!tpu.dma_semaphore, #tpu.memory_space<semaphore_mem>>)
    %add3A_8 = arith.constant 8 : i32
    %add3A_9 = arith.addi %mul3A_2, %add3A_8 : i32
    %dma_start3A_10 = arith.constant 0 : i32
    %dma_start3A_11 = tpu.memref_slice %arg3[%add3A_9, %dma_start3A_10] : memref<16384x50xi32, #tpu.memory_space<hbm>> -> memref<8x50xi32, #tpu.memory_space<hbm>>
    %dma_start3A_12 = arith.constant 0 : i32
    %dma_start3A_13 = tpu.memref_slice %arg3[%add3A_9, %dma_start3A_12] : memref<16384x50xi32, #tpu.memory_space<hbm>> -> memref<8x50xi32, #tpu.memory_space<hbm>>
    tpu.enqueue_dma source(%dma_start3A_13 : memref<8x50xi32, #tpu.memory_space<hbm>>) target(%arg6 : memref<8x50xi32, #tpu.memory_space<vmem>>) target_semaphore(%arg14 : memref<!tpu.dma_semaphore, #tpu.memory_space<semaphore_mem>>)
    %add3A_14 = arith.constant 16 : i32
    %add3A_15 = arith.addi %mul3A_2, %add3A_14 : i32
    %dma_start3A_16 = arith.constant 0 : i32
    %dma_start3A_17 = tpu.memref_slice %arg3[%add3A_15, %dma_start3A_16] : memref<16384x50xi32, #tpu.memory_space<hbm>> -> memref<8x50xi32, #tpu.memory_space<hbm>>
    %dma_start3A_18 = arith.constant 0 : i32
    %dma_start3A_19 = tpu.memref_slice %arg3[%add3A_15, %dma_start3A_18] : memref<16384x50xi32, #tpu.memory_space<hbm>> -> memref<8x50xi32, #tpu.memory_space<hbm>>
    tpu.enqueue_dma source(%dma_start3A_19 : memref<8x50xi32, #tpu.memory_space<hbm>>) target(%arg7 : memref<8x50xi32, #tpu.memory_space<vmem>>) target_semaphore(%arg15 : memref<!tpu.dma_semaphore, #tpu.memory_space<semaphore_mem>>)
    %add3A_20 = arith.constant 24 : i32
    %add3A_21 = arith.addi %mul3A_2, %add3A_20 : i32
    %dma_start3A_22 = arith.constant 0 : i32
    %dma_start3A_23 = tpu.memref_slice %arg3[%add3A_21, %dma_start3A_22] : memref<16384x50xi32, #tpu.memory_space<hbm>> -> memref<8x50xi32, #tpu.memory_space<hbm>>
    %dma_start3A_24 = arith.constant 0 : i32
    %dma_start3A_25 = tpu.memref_slice %arg3[%add3A_21, %dma_start3A_24] : memref<16384x50xi32, #tpu.memory_space<hbm>> -> memref<8x50xi32, #tpu.memory_space<hbm>>
    tpu.enqueue_dma source(%dma_start3A_25 : memref<8x50xi32, #tpu.memory_space<hbm>>) target(%arg8 : memref<8x50xi32, #tpu.memory_space<vmem>>) target_semaphore(%arg16 : memref<!tpu.dma_semaphore, #tpu.memory_space<semaphore_mem>>)
    %scan3A = arith.constant 0 : i32
    %scan3A_26 = arith.constant 0 : i32
    %scan3A_27 = arith.constant 16 : i32
    %scan3A_28 = arith.addi %scan3A_26, %scan3A_27 : i32
    %scan3A_29 = arith.constant 1 : i32
    %scan3A_30 = scf.for %scan3A_63 = %scan3A_26 to %scan3A_28 step %scan3A_29 iter_args(%scan3A_64 = %scan3A) -> (i32)  : i32 {
      %mul3A_65 = arith.constant 4 : i32
      %mul3A_66 = arith.muli %mul3A_65, %scan3A_63 : i32
      %dma_wait3A_67 = arith.constant 0 : i32
      %dma_wait3A_68 = arith.constant 0 : i32
      %dma_wait3A_69 = tpu.memref_slice %arg3[%dma_wait3A_67, %dma_wait3A_68] : memref<16384x50xi32, #tpu.memory_space<hbm>> -> memref<8x50xi32, #tpu.memory_space<hbm>>
      %dma_wait3A_70 = arith.constant 0 : i32
      %dma_wait3A_71 = arith.constant 0 : i32
      %dma_wait3A_72 = tpu.memref_slice %arg3[%dma_wait3A_70, %dma_wait3A_71] : memref<16384x50xi32, #tpu.memory_space<hbm>> -> memref<8x50xi32, #tpu.memory_space<hbm>>
      tpu.wait_dma2 semaphore(%arg13 : memref<!tpu.dma_semaphore, #tpu.memory_space<semaphore_mem>>) src(%dma_wait3A_72 : memref<8x50xi32, #tpu.memory_space<hbm>>) dst(%arg5 : memref<8x50xi32, #tpu.memory_space<vmem>>)
      %gt3A = arith.constant 0 : i32
      %gt3A_73 = arith.cmpi sgt, %scan3A_63, %gt3A : i32
      %convert_element_type3A = arith.extui %gt3A_73 : i1 to i32
      %cond3A = arith.constant 0 : i32
      %cond3A_74 = arith.cmpi ne, %convert_element_type3A, %cond3A : i32
      scf.if %cond3A_74 {
        %dma_wait3A_948 = arith.constant 0 : i32
        %dma_wait3A_949 = arith.constant 0 : i32
        %dma_wait3A_950 = arith.constant 0 : i32
        %dma_wait3A_951 = tpu.memref_slice %arg4[%dma_wait3A_948, %dma_wait3A_949, %dma_wait3A_950] : memref<16384x50x64xf32, #tpu.memory_space<hbm>> -> memref<8x50x64xf32, #tpu.memory_space<hbm>>
        %dma_wait3A_952 = arith.constant 0 : i32
        %dma_wait3A_953 = arith.constant 0 : i32
        %dma_wait3A_954 = arith.constant 0 : i32
        %dma_wait3A_955 = tpu.memref_slice %arg4[%dma_wait3A_952, %dma_wait3A_953, %dma_wait3A_954] : memref<16384x50x64xf32, #tpu.memory_space<hbm>> -> memref<8x50x64xf32, #tpu.memory_space<hbm>>
        tpu.wait_dma2 semaphore(%arg21 : memref<!tpu.dma_semaphore, #tpu.memory_space<semaphore_mem>>) src(%arg9 : memref<8x50x64xf32, #tpu.memory_space<vmem>>) dst(%dma_wait3A_955 : memref<8x50x64xf32, #tpu.memory_space<hbm>>)
      } else {
      }
      %dma_start3A_75 = arith.constant 0 : i32
      %dma_start3A_76 = arith.constant 0 : i32
      %dma_start3A_77 = arith.constant 0 : i32
      %dma_start3A_78 = arith.constant 0 : i32
      %dma_start3A_79 = tpu.memref_slice %arg9[%dma_start3A_76, %dma_start3A_77, %dma_start3A_78] : memref<8x50x64xf32, #tpu.memory_space<vmem>> -> memref<1x50x64xf32, #tpu.memory_space<vmem>>
      %dma_start3A_80 = tpu.memref_squeeze %dma_start3A_79 : memref<1x50x64xf32, #tpu.memory_space<vmem>> -> memref<50x64xf32, #tpu.memory_space<vmem>>
      %dma_start3A_81 = arith.constant 0 : i32
      %dma_start3A_82 = tpu.memref_slice %arg5[%dma_start3A_75, %dma_start3A_81] : memref<8x50xi32, #tpu.memory_space<vmem>> -> memref<1x50xi32, #tpu.memory_space<vmem>>
      %dma_start3A_83 = tpu.memref_squeeze %dma_start3A_82 : memref<1x50xi32, #tpu.memory_space<vmem>> -> memref<50xi32, #tpu.memory_space<vmem>>
      %dma_start3A_84 = arith.constant 0 : i32
      %dma_start3A_85 = arith.constant 0 : i32
      %dma_start3A_86 = tpu.memref_slice %arg2[%dma_start3A_84, %dma_start3A_85] : memref<1000000x64xf32, #tpu.memory_space<hbm>> -> memref<1000000x64xf32, #tpu.memory_space<hbm>>
      tpu.enqueue_indirect_dma source(%dma_start3A_86 : memref<1000000x64xf32, #tpu.memory_space<hbm>>) target(%dma_start3A_80 : memref<50x64xf32, #tpu.memory_space<vmem>>) offsets(%dma_start3A_83 : memref<50xi32, #tpu.memory_space<vmem>>) semaphore(%arg17 : memref<!tpu.dma_semaphore, #tpu.memory_space<semaphore_mem>>)
      %dma_start3A_87 = arith.constant 1 : i32
      %dma_start3A_88 = arith.constant 1 : i32
      %dma_start3A_89 = arith.constant 0 : i32
      %dma_start3A_90 = arith.constant 0 : i32
      %dma_start3A_91 = tpu.memref_slice %arg9[%dma_start3A_88, %dma_start3A_89, %dma_start3A_90] : memref<8x50x64xf32, #tpu.memory_space<vmem>> -> memref<1x50x64xf32, #tpu.memory_space<vmem>>
      %dma_start3A_92 = tpu.memref_squeeze %dma_start3A_91 : memref<1x50x64xf32, #tpu.memory_space<vmem>> -> memref<50x64xf32, #tpu.memory_space<vmem>>
      %dma_start3A_93 = arith.constant 0 : i32
      %dma_start3A_94 = tpu.memref_slice %arg5[%dma_start3A_87, %dma_start3A_93] : memref<8x50xi32, #tpu.memory_space<vmem>> -> memref<1x50xi32, #tpu.memory_space<vmem>>
      %dma_start3A_95 = tpu.memref_squeeze %dma_start3A_94 : memref<1x50xi32, #tpu.memory_space<vmem>> -> memref<50xi32, #tpu.memory_space<vmem>>
      %dma_start3A_96 = arith.constant 0 : i32
      %dma_start3A_97 = arith.constant 0 : i32
      %dma_start3A_98 = tpu.memref_slice %arg2[%dma_start3A_96, %dma_start3A_97] : memref<1000000x64xf32, #tpu.memory_space<hbm>> -> memref<1000000x64xf32, #tpu.memory_space<hbm>>
      tpu.enqueue_indirect_dma source(%dma_start3A_98 : memref<1000000x64xf32, #tpu.memory_space<hbm>>) target(%dma_start3A_92 : memref<50x64xf32, #tpu.memory_space<vmem>>) offsets(%dma_start3A_95 : memref<50xi32, #tpu.memory_space<vmem>>) semaphore(%arg17 : memref<!tpu.dma_semaphore, #tpu.memory_space<semaphore_mem>>)
      %dma_start3A_99 = arith.constant 2 : i32
      %dma_start3A_100 = arith.constant 2 : i32
      %dma_start3A_101 = arith.constant 0 : i32
      %dma_start3A_102 = arith.constant 0 : i32
      %dma_start3A_103 = tpu.memref_slice %arg9[%dma_start3A_100, %dma_start3A_101, %dma_start3A_102] : memref<8x50x64xf32, #tpu.memory_space<vmem>> -> memref<1x50x64xf32, #tpu.memory_space<vmem>>
      %dma_start3A_104 = tpu.memref_squeeze %dma_start3A_103 : memref<1x50x64xf32, #tpu.memory_space<vmem>> -> memref<50x64xf32, #tpu.memory_space<vmem>>
      %dma_start3A_105 = arith.constant 0 : i32
      %dma_start3A_106 = tpu.memref_slice %arg5[%dma_start3A_99, %dma_start3A_105] : memref<8x50xi32, #tpu.memory_space<vmem>> -> memref<1x50xi32, #tpu.memory_space<vmem>>
      %dma_start3A_107 = tpu.memref_squeeze %dma_start3A_106 : memref<1x50xi32, #tpu.memory_space<vmem>> -> memref<50xi32, #tpu.memory_space<vmem>>
      %dma_start3A_108 = arith.constant 0 : i32
      %dma_start3A_109 = arith.constant 0 : i32
      %dma_start3A_110 = tpu.memref_slice %arg2[%dma_start3A_108, %dma_start3A_109] : memref<1000000x64xf32, #tpu.memory_space<hbm>> -> memref<1000000x64xf32, #tpu.memory_space<hbm>>
      tpu.enqueue_indirect_dma source(%dma_start3A_110 : memref<1000000x64xf32, #tpu.memory_space<hbm>>) target(%dma_start3A_104 : memref<50x64xf32, #tpu.memory_space<vmem>>) offsets(%dma_start3A_107 : memref<50xi32, #tpu.memory_space<vmem>>) semaphore(%arg17 : memref<!tpu.dma_semaphore, #tpu.memory_space<semaphore_mem>>)
      %dma_start3A_111 = arith.constant 3 : i32
      %dma_start3A_112 = arith.constant 3 : i32
      %dma_start3A_113 = arith.constant 0 : i32
      %dma_start3A_114 = arith.constant 0 : i32
      %dma_start3A_115 = tpu.memref_slice %arg9[%dma_start3A_112, %dma_start3A_113, %dma_start3A_114] : memref<8x50x64xf32, #tpu.memory_space<vmem>> -> memref<1x50x64xf32, #tpu.memory_space<vmem>>
      %dma_start3A_116 = tpu.memref_squeeze %dma_start3A_115 : memref<1x50x64xf32, #tpu.memory_space<vmem>> -> memref<50x64xf32, #tpu.memory_space<vmem>>
      %dma_start3A_117 = arith.constant 0 : i32
      %dma_start3A_118 = tpu.memref_slice %arg5[%dma_start3A_111, %dma_start3A_117] : memref<8x50xi32, #tpu.memory_space<vmem>> -> memref<1x50xi32, #tpu.memory_space<vmem>>
      %dma_start3A_119 = tpu.memref_squeeze %dma_start3A_118 : memref<1x50xi32, #tpu.memory_space<vmem>> -> memref<50xi32, #tpu.memory_space<vmem>>
      %dma_start3A_120 = arith.constant 0 : i32
      %dma_start3A_121 = arith.constant 0 : i32
      %dma_start3A_122 = tpu.memref_slice %arg2[%dma_start3A_120, %dma_start3A_121] : memref<1000000x64xf32, #tpu.memory_space<hbm>> -> memref<1000000x64xf32, #tpu.memory_space<hbm>>
      tpu.enqueue_indirect_dma source(%dma_start3A_122 : memref<1000000x64xf32, #tpu.memory_space<hbm>>) target(%dma_start3A_116 : memref<50x64xf32, #tpu.memory_space<vmem>>) offsets(%dma_start3A_119 : memref<50xi32, #tpu.memory_space<vmem>>) semaphore(%arg17 : memref<!tpu.dma_semaphore, #tpu.memory_space<semaphore_mem>>)
      %dma_start3A_123 = arith.constant 4 : i32
      %dma_start3A_124 = arith.constant 4 : i32
      %dma_start3A_125 = arith.constant 0 : i32
      %dma_start3A_126 = arith.constant 0 : i32
      %dma_start3A_127 = tpu.memref_slice %arg9[%dma_start3A_124, %dma_start3A_125, %dma_start3A_126] : memref<8x50x64xf32, #tpu.memory_space<vmem>> -> memref<1x50x64xf32, #tpu.memory_space<vmem>>
      %dma_start3A_128 = tpu.memref_squeeze %dma_start3A_127 : memref<1x50x64xf32, #tpu.memory_space<vmem>> -> memref<50x64xf32, #tpu.memory_space<vmem>>
      %dma_start3A_129 = arith.constant 0 : i32
      %dma_start3A_130 = tpu.memref_slice %arg5[%dma_start3A_123, %dma_start3A_129] : memref<8x50xi32, #tpu.memory_space<vmem>> -> memref<1x50xi32, #tpu.memory_space<vmem>>
      %dma_start3A_131 = tpu.memref_squeeze %dma_start3A_130 : memref<1x50xi32, #tpu.memory_space<vmem>> -> memref<50xi32, #tpu.memory_space<vmem>>
      %dma_start3A_132 = arith.constant 0 : i32
      %dma_start3A_133 = arith.constant 0 : i32
      %dma_start3A_134 = tpu.memref_slice %arg2[%dma_start3A_132, %dma_start3A_133] : memref<1000000x64xf32, #tpu.memory_space<hbm>> -> memref<1000000x64xf32, #tpu.memory_space<hbm>>
      tpu.enqueue_indirect_dma source(%dma_start3A_134 : memref<1000000x64xf32, #tpu.memory_space<hbm>>) target(%dma_start3A_128 : memref<50x64xf32, #tpu.memory_space<vmem>>) offsets(%dma_start3A_131 : memref<50xi32, #tpu.memory_space<vmem>>) semaphore(%arg17 : memref<!tpu.dma_semaphore, #tpu.memory_space<semaphore_mem>>)
      %dma_start3A_135 = arith.constant 5 : i32
      %dma_start3A_136 = arith.constant 5 : i32
      %dma_start3A_137 = arith.constant 0 : i32
      %dma_start3A_138 = arith.constant 0 : i32
      %dma_start3A_139 = tpu.memref_slice %arg9[%dma_start3A_136, %dma_start3A_137, %dma_start3A_138] : memref<8x50x64xf32, #tpu.memory_space<vmem>> -> memref<1x50x64xf32, #tpu.memory_space<vmem>>
      %dma_start3A_140 = tpu.memref_squeeze %dma_start3A_139 : memref<1x50x64xf32, #tpu.memory_space<vmem>> -> memref<50x64xf32, #tpu.memory_space<vmem>>
      %dma_start3A_141 = arith.constant 0 : i32
      %dma_start3A_142 = tpu.memref_slice %arg5[%dma_start3A_135, %dma_start3A_141] : memref<8x50xi32, #tpu.memory_space<vmem>> -> memref<1x50xi32, #tpu.memory_space<vmem>>
      %dma_start3A_143 = tpu.memref_squeeze %dma_start3A_142 : memref<1x50xi32, #tpu.memory_space<vmem>> -> memref<50xi32, #tpu.memory_space<vmem>>
      %dma_start3A_144 = arith.constant 0 : i32
      %dma_start3A_145 = arith.constant 0 : i32
      %dma_start3A_146 = tpu.memref_slice %arg2[%dma_start3A_144, %dma_start3A_145] : memref<1000000x64xf32, #tpu.memory_space<hbm>> -> memref<1000000x64xf32, #tpu.memory_space<hbm>>
      tpu.enqueue_indirect_dma source(%dma_start3A_146 : memref<1000000x64xf32, #tpu.memory_space<hbm>>) target(%dma_start3A_140 : memref<50x64xf32, #tpu.memory_space<vmem>>) offsets(%dma_start3A_143 : memref<50xi32, #tpu.memory_space<vmem>>) semaphore(%arg17 : memref<!tpu.dma_semaphore, #tpu.memory_space<semaphore_mem>>)
      %dma_start3A_147 = arith.constant 6 : i32
      %dma_start3A_148 = arith.constant 6 : i32
      %dma_start3A_149 = arith.constant 0 : i32
      %dma_start3A_150 = arith.constant 0 : i32
      %dma_start3A_151 = tpu.memref_slice %arg9[%dma_start3A_148, %dma_start3A_149, %dma_start3A_150] : memref<8x50x64xf32, #tpu.memory_space<vmem>> -> memref<1x50x64xf32, #tpu.memory_space<vmem>>
      %dma_start3A_152 = tpu.memref_squeeze %dma_start3A_151 : memref<1x50x64xf32, #tpu.memory_space<vmem>> -> memref<50x64xf32, #tpu.memory_space<vmem>>
      %dma_start3A_153 = arith.constant 0 : i32
      %dma_start3A_154 = tpu.memref_slice %arg5[%dma_start3A_147, %dma_start3A_153] : memref<8x50xi32, #tpu.memory_space<vmem>> -> memref<1x50xi32, #tpu.memory_space<vmem>>
      %dma_start3A_155 = tpu.memref_squeeze %dma_start3A_154 : memref<1x50xi32, #tpu.memory_space<vmem>> -> memref<50xi32, #tpu.memory_space<vmem>>
      %dma_start3A_156 = arith.constant 0 : i32
      %dma_start3A_157 = arith.constant 0 : i32
      %dma_start3A_158 = tpu.memref_slice %arg2[%dma_start3A_156, %dma_start3A_157] : memref<1000000x64xf32, #tpu.memory_space<hbm>> -> memref<1000000x64xf32, #tpu.memory_space<hbm>>
      tpu.enqueue_indirect_dma source(%dma_start3A_158 : memref<1000000x64xf32, #tpu.memory_space<hbm>>) target(%dma_start3A_152 : memref<50x64xf32, #tpu.memory_space<vmem>>) offsets(%dma_start3A_155 : memref<50xi32, #tpu.memory_space<vmem>>) semaphore(%arg17 : memref<!tpu.dma_semaphore, #tpu.memory_space<semaphore_mem>>)
      %dma_start3A_159 = arith.constant 7 : i32
      %dma_start3A_160 = arith.constant 7 : i32
      %dma_start3A_161 = arith.constant 0 : i32
      %dma_start3A_162 = arith.constant 0 : i32
      %dma_start3A_163 = tpu.memref_slice %arg9[%dma_start3A_160, %dma_start3A_161, %dma_start3A_162] : memref<8x50x64xf32, #tpu.memory_space<vmem>> -> memref<1x50x64xf32, #tpu.memory_space<vmem>>
      %dma_start3A_164 = tpu.memref_squeeze %dma_start3A_163 : memref<1x50x64xf32, #tpu.memory_space<vmem>> -> memref<50x64xf32, #tpu.memory_space<vmem>>
      %dma_start3A_165 = arith.constant 0 : i32
      %dma_start3A_166 = tpu.memref_slice %arg5[%dma_start3A_159, %dma_start3A_165] : memref<8x50xi32, #tpu.memory_space<vmem>> -> memref<1x50xi32, #tpu.memory_space<vmem>>
      %dma_start3A_167 = tpu.memref_squeeze %dma_start3A_166 : memref<1x50xi32, #tpu.memory_space<vmem>> -> memref<50xi32, #tpu.memory_space<vmem>>
      %dma_start3A_168 = arith.constant 0 : i32
      %dma_start3A_169 = arith.constant 0 : i32
      %dma_start3A_170 = tpu.memref_slice %arg2[%dma_start3A_168, %dma_start3A_169] : memref<1000000x64xf32, #tpu.memory_space<hbm>> -> memref<1000000x64xf32, #tpu.memory_space<hbm>>
      tpu.enqueue_indirect_dma source(%dma_start3A_170 : memref<1000000x64xf32, #tpu.memory_space<hbm>>) target(%dma_start3A_164 : memref<50x64xf32, #tpu.memory_space<vmem>>) offsets(%dma_start3A_167 : memref<50xi32, #tpu.memory_space<vmem>>) semaphore(%arg17 : memref<!tpu.dma_semaphore, #tpu.memory_space<semaphore_mem>>)
      %dma_wait3A_171 = arith.constant 0 : i32
      %dma_wait3A_172 = arith.constant 0 : i32
      %dma_wait3A_173 = tpu.memref_slice %arg3[%dma_wait3A_171, %dma_wait3A_172] : memref<16384x50xi32, #tpu.memory_space<hbm>> -> memref<8x50xi32, #tpu.memory_space<hbm>>
      %dma_wait3A_174 = arith.constant 0 : i32
      %dma_wait3A_175 = arith.constant 0 : i32
      %dma_wait3A_176 = tpu.memref_slice %arg3[%dma_wait3A_174, %dma_wait3A_175] : memref<16384x50xi32, #tpu.memory_space<hbm>> -> memref<8x50xi32, #tpu.memory_space<hbm>>
      tpu.wait_dma2 semaphore(%arg14 : memref<!tpu.dma_semaphore, #tpu.memory_space<semaphore_mem>>) src(%dma_wait3A_176 : memref<8x50xi32, #tpu.memory_space<hbm>>) dst(%arg6 : memref<8x50xi32, #tpu.memory_space<vmem>>)
      %gt3A_177 = arith.constant 0 : i32
      %gt3A_178 = arith.cmpi sgt, %scan3A_63, %gt3A_177 : i32
      %convert_element_type3A_179 = arith.extui %gt3A_178 : i1 to i32
      %cond3A_180 = arith.constant 0 : i32
      %cond3A_181 = arith.cmpi ne, %convert_element_type3A_179, %cond3A_180 : i32
      scf.if %cond3A_181 {
        %dma_wait3A_948 = arith.constant 0 : i32
        %dma_wait3A_949 = arith.constant 0 : i32
        %dma_wait3A_950 = arith.constant 0 : i32
        %dma_wait3A_951 = tpu.memref_slice %arg4[%dma_wait3A_948, %dma_wait3A_949, %dma_wait3A_950] : memref<16384x50x64xf32, #tpu.memory_space<hbm>> -> memref<8x50x64xf32, #tpu.memory_space<hbm>>
        %dma_wait3A_952 = arith.constant 0 : i32
        %dma_wait3A_953 = arith.constant 0 : i32
        %dma_wait3A_954 = arith.constant 0 : i32
        %dma_wait3A_955 = tpu.memref_slice %arg4[%dma_wait3A_952, %dma_wait3A_953, %dma_wait3A_954] : memref<16384x50x64xf32, #tpu.memory_space<hbm>> -> memref<8x50x64xf32, #tpu.memory_space<hbm>>
        tpu.wait_dma2 semaphore(%arg22 : memref<!tpu.dma_semaphore, #tpu.memory_space<semaphore_mem>>) src(%arg10 : memref<8x50x64xf32, #tpu.memory_space<vmem>>) dst(%dma_wait3A_955 : memref<8x50x64xf32, #tpu.memory_space<hbm>>)
      } else {
      }
      %dma_start3A_182 = arith.constant 0 : i32
      %dma_start3A_183 = arith.constant 0 : i32
      %dma_start3A_184 = arith.constant 0 : i32
      %dma_start3A_185 = arith.constant 0 : i32
      %dma_start3A_186 = tpu.memref_slice %arg10[%dma_start3A_183, %dma_start3A_184, %dma_start3A_185] : memref<8x50x64xf32, #tpu.memory_space<vmem>> -> memref<1x50x64xf32, #tpu.memory_space<vmem>>
      %dma_start3A_187 = tpu.memref_squeeze %dma_start3A_186 : memref<1x50x64xf32, #tpu.memory_space<vmem>> -> memref<50x64xf32, #tpu.memory_space<vmem>>
      %dma_start3A_188 = arith.constant 0 : i32
      %dma_start3A_189 = tpu.memref_slice %arg6[%dma_start3A_182, %dma_start3A_188] : memref<8x50xi32, #tpu.memory_space<vmem>> -> memref<1x50xi32, #tpu.memory_space<vmem>>
      %dma_start3A_190 = tpu.memref_squeeze %dma_start3A_189 : memref<1x50xi32, #tpu.memory_space<vmem>> -> memref<50xi32, #tpu.memory_space<vmem>>
      %dma_start3A_191 = arith.constant 0 : i32
      %dma_start3A_192 = arith.constant 0 : i32
      %dma_start3A_193 = tpu.memref_slice %arg2[%dma_start3A_191, %dma_start3A_192] : memref<1000000x64xf32, #tpu.memory_space<hbm>> -> memref<1000000x64xf32, #tpu.memory_space<hbm>>
      tpu.enqueue_indirect_dma source(%dma_start3A_193 : memref<1000000x64xf32, #tpu.memory_space<hbm>>) target(%dma_start3A_187 : memref<50x64xf32, #tpu.memory_space<vmem>>) offsets(%dma_start3A_190 : memref<50xi32, #tpu.memory_space<vmem>>) semaphore(%arg18 : memref<!tpu.dma_semaphore, #tpu.memory_space<semaphore_mem>>)
      %dma_start3A_194 = arith.constant 1 : i32
      %dma_start3A_195 = arith.constant 1 : i32
      %dma_start3A_196 = arith.constant 0 : i32
      %dma_start3A_197 = arith.constant 0 : i32
      %dma_start3A_198 = tpu.memref_slice %arg10[%dma_start3A_195, %dma_start3A_196, %dma_start3A_197] : memref<8x50x64xf32, #tpu.memory_space<vmem>> -> memref<1x50x64xf32, #tpu.memory_space<vmem>>
      %dma_start3A_199 = tpu.memref_squeeze %dma_start3A_198 : memref<1x50x64xf32, #tpu.memory_space<vmem>> -> memref<50x64xf32, #tpu.memory_space<vmem>>
      %dma_start3A_200 = arith.constant 0 : i32
      %dma_start3A_201 = tpu.memref_slice %arg6[%dma_start3A_194, %dma_start3A_200] : memref<8x50xi32, #tpu.memory_space<vmem>> -> memref<1x50xi32, #tpu.memory_space<vmem>>
      %dma_start3A_202 = tpu.memref_squeeze %dma_start3A_201 : memref<1x50xi32, #tpu.memory_space<vmem>> -> memref<50xi32, #tpu.memory_space<vmem>>
      %dma_start3A_203 = arith.constant 0 : i32
      %dma_start3A_204 = arith.constant 0 : i32
      %dma_start3A_205 = tpu.memref_slice %arg2[%dma_start3A_203, %dma_start3A_204] : memref<1000000x64xf32, #tpu.memory_space<hbm>> -> memref<1000000x64xf32, #tpu.memory_space<hbm>>
      tpu.enqueue_indirect_dma source(%dma_start3A_205 : memref<1000000x64xf32, #tpu.memory_space<hbm>>) target(%dma_start3A_199 : memref<50x64xf32, #tpu.memory_space<vmem>>) offsets(%dma_start3A_202 : memref<50xi32, #tpu.memory_space<vmem>>) semaphore(%arg18 : memref<!tpu.dma_semaphore, #tpu.memory_space<semaphore_mem>>)
      %dma_start3A_206 = arith.constant 2 : i32
      %dma_start3A_207 = arith.constant 2 : i32
      %dma_start3A_208 = arith.constant 0 : i32
      %dma_start3A_209 = arith.constant 0 : i32
      %dma_start3A_210 = tpu.memref_slice %arg10[%dma_start3A_207, %dma_start3A_208, %dma_start3A_209] : memref<8x50x64xf32, #tpu.memory_space<vmem>> -> memref<1x50x64xf32, #tpu.memory_space<vmem>>
      %dma_start3A_211 = tpu.memref_squeeze %dma_start3A_210 : memref<1x50x64xf32, #tpu.memory_space<vmem>> -> memref<50x64xf32, #tpu.memory_space<vmem>>
      %dma_start3A_212 = arith.constant 0 : i32
      %dma_start3A_213 = tpu.memref_slice %arg6[%dma_start3A_206, %dma_start3A_212] : memref<8x50xi32, #tpu.memory_space<vmem>> -> memref<1x50xi32, #tpu.memory_space<vmem>>
      %dma_start3A_214 = tpu.memref_squeeze %dma_start3A_213 : memref<1x50xi32, #tpu.memory_space<vmem>> -> memref<50xi32, #tpu.memory_space<vmem>>
      %dma_start3A_215 = arith.constant 0 : i32
      %dma_start3A_216 = arith.constant 0 : i32
      %dma_start3A_217 = tpu.memref_slice %arg2[%dma_start3A_215, %dma_start3A_216] : memref<1000000x64xf32, #tpu.memory_space<hbm>> -> memref<1000000x64xf32, #tpu.memory_space<hbm>>
      tpu.enqueue_indirect_dma source(%dma_start3A_217 : memref<1000000x64xf32, #tpu.memory_space<hbm>>) target(%dma_start3A_211 : memref<50x64xf32, #tpu.memory_space<vmem>>) offsets(%dma_start3A_214 : memref<50xi32, #tpu.memory_space<vmem>>) semaphore(%arg18 : memref<!tpu.dma_semaphore, #tpu.memory_space<semaphore_mem>>)
      %dma_start3A_218 = arith.constant 3 : i32
      %dma_start3A_219 = arith.constant 3 : i32
      %dma_start3A_220 = arith.constant 0 : i32
      %dma_start3A_221 = arith.constant 0 : i32
      %dma_start3A_222 = tpu.memref_slice %arg10[%dma_start3A_219, %dma_start3A_220, %dma_start3A_221] : memref<8x50x64xf32, #tpu.memory_space<vmem>> -> memref<1x50x64xf32, #tpu.memory_space<vmem>>
      %dma_start3A_223 = tpu.memref_squeeze %dma_start3A_222 : memref<1x50x64xf32, #tpu.memory_space<vmem>> -> memref<50x64xf32, #tpu.memory_space<vmem>>
      %dma_start3A_224 = arith.constant 0 : i32
      %dma_start3A_225 = tpu.memref_slice %arg6[%dma_start3A_218, %dma_start3A_224] : memref<8x50xi32, #tpu.memory_space<vmem>> -> memref<1x50xi32, #tpu.memory_space<vmem>>
      %dma_start3A_226 = tpu.memref_squeeze %dma_start3A_225 : memref<1x50xi32, #tpu.memory_space<vmem>> -> memref<50xi32, #tpu.memory_space<vmem>>
      %dma_start3A_227 = arith.constant 0 : i32
      %dma_start3A_228 = arith.constant 0 : i32
      %dma_start3A_229 = tpu.memref_slice %arg2[%dma_start3A_227, %dma_start3A_228] : memref<1000000x64xf32, #tpu.memory_space<hbm>> -> memref<1000000x64xf32, #tpu.memory_space<hbm>>
      tpu.enqueue_indirect_dma source(%dma_start3A_229 : memref<1000000x64xf32, #tpu.memory_space<hbm>>) target(%dma_start3A_223 : memref<50x64xf32, #tpu.memory_space<vmem>>) offsets(%dma_start3A_226 : memref<50xi32, #tpu.memory_space<vmem>>) semaphore(%arg18 : memref<!tpu.dma_semaphore, #tpu.memory_space<semaphore_mem>>)
      %dma_start3A_230 = arith.constant 4 : i32
      %dma_start3A_231 = arith.constant 4 : i32
      %dma_start3A_232 = arith.constant 0 : i32
      %dma_start3A_233 = arith.constant 0 : i32
      %dma_start3A_234 = tpu.memref_slice %arg10[%dma_start3A_231, %dma_start3A_232, %dma_start3A_233] : memref<8x50x64xf32, #tpu.memory_space<vmem>> -> memref<1x50x64xf32, #tpu.memory_space<vmem>>
      %dma_start3A_235 = tpu.memref_squeeze %dma_start3A_234 : memref<1x50x64xf32, #tpu.memory_space<vmem>> -> memref<50x64xf32, #tpu.memory_space<vmem>>
      %dma_start3A_236 = arith.constant 0 : i32
      %dma_start3A_237 = tpu.memref_slice %arg6[%dma_start3A_230, %dma_start3A_236] : memref<8x50xi32, #tpu.memory_space<vmem>> -> memref<1x50xi32, #tpu.memory_space<vmem>>
      %dma_start3A_238 = tpu.memref_squeeze %dma_start3A_237 : memref<1x50xi32, #tpu.memory_space<vmem>> -> memref<50xi32, #tpu.memory_space<vmem>>
      %dma_start3A_239 = arith.constant 0 : i32
      %dma_start3A_240 = arith.constant 0 : i32
      %dma_start3A_241 = tpu.memref_slice %arg2[%dma_start3A_239, %dma_start3A_240] : memref<1000000x64xf32, #tpu.memory_space<hbm>> -> memref<1000000x64xf32, #tpu.memory_space<hbm>>
      tpu.enqueue_indirect_dma source(%dma_start3A_241 : memref<1000000x64xf32, #tpu.memory_space<hbm>>) target(%dma_start3A_235 : memref<50x64xf32, #tpu.memory_space<vmem>>) offsets(%dma_start3A_238 : memref<50xi32, #tpu.memory_space<vmem>>) semaphore(%arg18 : memref<!tpu.dma_semaphore, #tpu.memory_space<semaphore_mem>>)
      %dma_start3A_242 = arith.constant 5 : i32
      %dma_start3A_243 = arith.constant 5 : i32
      %dma_start3A_244 = arith.constant 0 : i32
      %dma_start3A_245 = arith.constant 0 : i32
      %dma_start3A_246 = tpu.memref_slice %arg10[%dma_start3A_243, %dma_start3A_244, %dma_start3A_245] : memref<8x50x64xf32, #tpu.memory_space<vmem>> -> memref<1x50x64xf32, #tpu.memory_space<vmem>>
      %dma_start3A_247 = tpu.memref_squeeze %dma_start3A_246 : memref<1x50x64xf32, #tpu.memory_space<vmem>> -> memref<50x64xf32, #tpu.memory_space<vmem>>
      %dma_start3A_248 = arith.constant 0 : i32
      %dma_start3A_249 = tpu.memref_slice %arg6[%dma_start3A_242, %dma_start3A_248] : memref<8x50xi32, #tpu.memory_space<vmem>> -> memref<1x50xi32, #tpu.memory_space<vmem>>
      %dma_start3A_250 = tpu.memref_squeeze %dma_start3A_249 : memref<1x50xi32, #tpu.memory_space<vmem>> -> memref<50xi32, #tpu.memory_space<vmem>>
      %dma_start3A_251 = arith.constant 0 : i32
      %dma_start3A_252 = arith.constant 0 : i32
      %dma_start3A_253 = tpu.memref_slice %arg2[%dma_start3A_251, %dma_start3A_252] : memref<1000000x64xf32, #tpu.memory_space<hbm>> -> memref<1000000x64xf32, #tpu.memory_space<hbm>>
      tpu.enqueue_indirect_dma source(%dma_start3A_253 : memref<1000000x64xf32, #tpu.memory_space<hbm>>) target(%dma_start3A_247 : memref<50x64xf32, #tpu.memory_space<vmem>>) offsets(%dma_start3A_250 : memref<50xi32, #tpu.memory_space<vmem>>) semaphore(%arg18 : memref<!tpu.dma_semaphore, #tpu.memory_space<semaphore_mem>>)
      %dma_start3A_254 = arith.constant 6 : i32
      %dma_start3A_255 = arith.constant 6 : i32
      %dma_start3A_256 = arith.constant 0 : i32
      %dma_start3A_257 = arith.constant 0 : i32
      %dma_start3A_258 = tpu.memref_slice %arg10[%dma_start3A_255, %dma_start3A_256, %dma_start3A_257] : memref<8x50x64xf32, #tpu.memory_space<vmem>> -> memref<1x50x64xf32, #tpu.memory_space<vmem>>
      %dma_start3A_259 = tpu.memref_squeeze %dma_start3A_258 : memref<1x50x64xf32, #tpu.memory_space<vmem>> -> memref<50x64xf32, #tpu.memory_space<vmem>>
      %dma_start3A_260 = arith.constant 0 : i32
      %dma_start3A_261 = tpu.memref_slice %arg6[%dma_start3A_254, %dma_start3A_260] : memref<8x50xi32, #tpu.memory_space<vmem>> -> memref<1x50xi32, #tpu.memory_space<vmem>>
      %dma_start3A_262 = tpu.memref_squeeze %dma_start3A_261 : memref<1x50xi32, #tpu.memory_space<vmem>> -> memref<50xi32, #tpu.memory_space<vmem>>
      %dma_start3A_263 = arith.constant 0 : i32
      %dma_start3A_264 = arith.constant 0 : i32
      %dma_start3A_265 = tpu.memref_slice %arg2[%dma_start3A_263, %dma_start3A_264] : memref<1000000x64xf32, #tpu.memory_space<hbm>> -> memref<1000000x64xf32, #tpu.memory_space<hbm>>
      tpu.enqueue_indirect_dma source(%dma_start3A_265 : memref<1000000x64xf32, #tpu.memory_space<hbm>>) target(%dma_start3A_259 : memref<50x64xf32, #tpu.memory_space<vmem>>) offsets(%dma_start3A_262 : memref<50xi32, #tpu.memory_space<vmem>>) semaphore(%arg18 : memref<!tpu.dma_semaphore, #tpu.memory_space<semaphore_mem>>)
      %dma_start3A_266 = arith.constant 7 : i32
      %dma_start3A_267 = arith.constant 7 : i32
      %dma_start3A_268 = arith.constant 0 : i32
      %dma_start3A_269 = arith.constant 0 : i32
      %dma_start3A_270 = tpu.memref_slice %arg10[%dma_start3A_267, %dma_start3A_268, %dma_start3A_269] : memref<8x50x64xf32, #tpu.memory_space<vmem>> -> memref<1x50x64xf32, #tpu.memory_space<vmem>>
      %dma_start3A_271 = tpu.memref_squeeze %dma_start3A_270 : memref<1x50x64xf32, #tpu.memory_space<vmem>> -> memref<50x64xf32, #tpu.memory_space<vmem>>
      %dma_start3A_272 = arith.constant 0 : i32
      %dma_start3A_273 = tpu.memref_slice %arg6[%dma_start3A_266, %dma_start3A_272] : memref<8x50xi32, #tpu.memory_space<vmem>> -> memref<1x50xi32, #tpu.memory_space<vmem>>
      %dma_start3A_274 = tpu.memref_squeeze %dma_start3A_273 : memref<1x50xi32, #tpu.memory_space<vmem>> -> memref<50xi32, #tpu.memory_space<vmem>>
      %dma_start3A_275 = arith.constant 0 : i32
      %dma_start3A_276 = arith.constant 0 : i32
      %dma_start3A_277 = tpu.memref_slice %arg2[%dma_start3A_275, %dma_start3A_276] : memref<1000000x64xf32, #tpu.memory_space<hbm>> -> memref<1000000x64xf32, #tpu.memory_space<hbm>>
      tpu.enqueue_indirect_dma source(%dma_start3A_277 : memref<1000000x64xf32, #tpu.memory_space<hbm>>) target(%dma_start3A_271 : memref<50x64xf32, #tpu.memory_space<vmem>>) offsets(%dma_start3A_274 : memref<50xi32, #tpu.memory_space<vmem>>) semaphore(%arg18 : memref<!tpu.dma_semaphore, #tpu.memory_space<semaphore_mem>>)
      %dma_wait3A_278 = arith.constant 0 : i32
      %dma_wait3A_279 = arith.constant 0 : i32
      %dma_wait3A_280 = tpu.memref_slice %arg3[%dma_wait3A_278, %dma_wait3A_279] : memref<16384x50xi32, #tpu.memory_space<hbm>> -> memref<8x50xi32, #tpu.memory_space<hbm>>
      %dma_wait3A_281 = arith.constant 0 : i32
      %dma_wait3A_282 = arith.constant 0 : i32
      %dma_wait3A_283 = tpu.memref_slice %arg3[%dma_wait3A_281, %dma_wait3A_282] : memref<16384x50xi32, #tpu.memory_space<hbm>> -> memref<8x50xi32, #tpu.memory_space<hbm>>
      tpu.wait_dma2 semaphore(%arg15 : memref<!tpu.dma_semaphore, #tpu.memory_space<semaphore_mem>>) src(%dma_wait3A_283 : memref<8x50xi32, #tpu.memory_space<hbm>>) dst(%arg7 : memref<8x50xi32, #tpu.memory_space<vmem>>)
      %gt3A_284 = arith.constant 0 : i32
      %gt3A_285 = arith.cmpi sgt, %scan3A_63, %gt3A_284 : i32
      %convert_element_type3A_286 = arith.extui %gt3A_285 : i1 to i32
      %cond3A_287 = arith.constant 0 : i32
      %cond3A_288 = arith.cmpi ne, %convert_element_type3A_286, %cond3A_287 : i32
      scf.if %cond3A_288 {
        %dma_wait3A_948 = arith.constant 0 : i32
        %dma_wait3A_949 = arith.constant 0 : i32
        %dma_wait3A_950 = arith.constant 0 : i32
        %dma_wait3A_951 = tpu.memref_slice %arg4[%dma_wait3A_948, %dma_wait3A_949, %dma_wait3A_950] : memref<16384x50x64xf32, #tpu.memory_space<hbm>> -> memref<8x50x64xf32, #tpu.memory_space<hbm>>
        %dma_wait3A_952 = arith.constant 0 : i32
        %dma_wait3A_953 = arith.constant 0 : i32
        %dma_wait3A_954 = arith.constant 0 : i32
        %dma_wait3A_955 = tpu.memref_slice %arg4[%dma_wait3A_952, %dma_wait3A_953, %dma_wait3A_954] : memref<16384x50x64xf32, #tpu.memory_space<hbm>> -> memref<8x50x64xf32, #tpu.memory_space<hbm>>
        tpu.wait_dma2 semaphore(%arg23 : memref<!tpu.dma_semaphore, #tpu.memory_space<semaphore_mem>>) src(%arg11 : memref<8x50x64xf32, #tpu.memory_space<vmem>>) dst(%dma_wait3A_955 : memref<8x50x64xf32, #tpu.memory_space<hbm>>)
      } else {
      }
      %dma_start3A_289 = arith.constant 0 : i32
      %dma_start3A_290 = arith.constant 0 : i32
      %dma_start3A_291 = arith.constant 0 : i32
      %dma_start3A_292 = arith.constant 0 : i32
      %dma_start3A_293 = tpu.memref_slice %arg11[%dma_start3A_290, %dma_start3A_291, %dma_start3A_292] : memref<8x50x64xf32, #tpu.memory_space<vmem>> -> memref<1x50x64xf32, #tpu.memory_space<vmem>>
      %dma_start3A_294 = tpu.memref_squeeze %dma_start3A_293 : memref<1x50x64xf32, #tpu.memory_space<vmem>> -> memref<50x64xf32, #tpu.memory_space<vmem>>
      %dma_start3A_295 = arith.constant 0 : i32
      %dma_start3A_296 = tpu.memref_slice %arg7[%dma_start3A_289, %dma_start3A_295] : memref<8x50xi32, #tpu.memory_space<vmem>> -> memref<1x50xi32, #tpu.memory_space<vmem>>
      %dma_start3A_297 = tpu.memref_squeeze %dma_start3A_296 : memref<1x50xi32, #tpu.memory_space<vmem>> -> memref<50xi32, #tpu.memory_space<vmem>>
      %dma_start3A_298 = arith.constant 0 : i32
      %dma_start3A_299 = arith.constant 0 : i32
      %dma_start3A_300 = tpu.memref_slice %arg2[%dma_start3A_298, %dma_start3A_299] : memref<1000000x64xf32, #tpu.memory_space<hbm>> -> memref<1000000x64xf32, #tpu.memory_space<hbm>>
      tpu.enqueue_indirect_dma source(%dma_start3A_300 : memref<1000000x64xf32, #tpu.memory_space<hbm>>) target(%dma_start3A_294 : memref<50x64xf32, #tpu.memory_space<vmem>>) offsets(%dma_start3A_297 : memref<50xi32, #tpu.memory_space<vmem>>) semaphore(%arg19 : memref<!tpu.dma_semaphore, #tpu.memory_space<semaphore_mem>>)
      %dma_start3A_301 = arith.constant 1 : i32
      %dma_start3A_302 = arith.constant 1 : i32
      %dma_start3A_303 = arith.constant 0 : i32
      %dma_start3A_304 = arith.constant 0 : i32
      %dma_start3A_305 = tpu.memref_slice %arg11[%dma_start3A_302, %dma_start3A_303, %dma_start3A_304] : memref<8x50x64xf32, #tpu.memory_space<vmem>> -> memref<1x50x64xf32, #tpu.memory_space<vmem>>
      %dma_start3A_306 = tpu.memref_squeeze %dma_start3A_305 : memref<1x50x64xf32, #tpu.memory_space<vmem>> -> memref<50x64xf32, #tpu.memory_space<vmem>>
      %dma_start3A_307 = arith.constant 0 : i32
      %dma_start3A_308 = tpu.memref_slice %arg7[%dma_start3A_301, %dma_start3A_307] : memref<8x50xi32, #tpu.memory_space<vmem>> -> memref<1x50xi32, #tpu.memory_space<vmem>>
      %dma_start3A_309 = tpu.memref_squeeze %dma_start3A_308 : memref<1x50xi32, #tpu.memory_space<vmem>> -> memref<50xi32, #tpu.memory_space<vmem>>
      %dma_start3A_310 = arith.constant 0 : i32
      %dma_start3A_311 = arith.constant 0 : i32
      %dma_start3A_312 = tpu.memref_slice %arg2[%dma_start3A_310, %dma_start3A_311] : memref<1000000x64xf32, #tpu.memory_space<hbm>> -> memref<1000000x64xf32, #tpu.memory_space<hbm>>
      tpu.enqueue_indirect_dma source(%dma_start3A_312 : memref<1000000x64xf32, #tpu.memory_space<hbm>>) target(%dma_start3A_306 : memref<50x64xf32, #tpu.memory_space<vmem>>) offsets(%dma_start3A_309 : memref<50xi32, #tpu.memory_space<vmem>>) semaphore(%arg19 : memref<!tpu.dma_semaphore, #tpu.memory_space<semaphore_mem>>)
      %dma_start3A_313 = arith.constant 2 : i32
      %dma_start3A_314 = arith.constant 2 : i32
      %dma_start3A_315 = arith.constant 0 : i32
      %dma_start3A_316 = arith.constant 0 : i32
      %dma_start3A_317 = tpu.memref_slice %arg11[%dma_start3A_314, %dma_start3A_315, %dma_start3A_316] : memref<8x50x64xf32, #tpu.memory_space<vmem>> -> memref<1x50x64xf32, #tpu.memory_space<vmem>>
      %dma_start3A_318 = tpu.memref_squeeze %dma_start3A_317 : memref<1x50x64xf32, #tpu.memory_space<vmem>> -> memref<50x64xf32, #tpu.memory_space<vmem>>
      %dma_start3A_319 = arith.constant 0 : i32
      %dma_start3A_320 = tpu.memref_slice %arg7[%dma_start3A_313, %dma_start3A_319] : memref<8x50xi32, #tpu.memory_space<vmem>> -> memref<1x50xi32, #tpu.memory_space<vmem>>
      %dma_start3A_321 = tpu.memref_squeeze %dma_start3A_320 : memref<1x50xi32, #tpu.memory_space<vmem>> -> memref<50xi32, #tpu.memory_space<vmem>>
      %dma_start3A_322 = arith.constant 0 : i32
      %dma_start3A_323 = arith.constant 0 : i32
      %dma_start3A_324 = tpu.memref_slice %arg2[%dma_start3A_322, %dma_start3A_323] : memref<1000000x64xf32, #tpu.memory_space<hbm>> -> memref<1000000x64xf32, #tpu.memory_space<hbm>>
      tpu.enqueue_indirect_dma source(%dma_start3A_324 : memref<1000000x64xf32, #tpu.memory_space<hbm>>) target(%dma_start3A_318 : memref<50x64xf32, #tpu.memory_space<vmem>>) offsets(%dma_start3A_321 : memref<50xi32, #tpu.memory_space<vmem>>) semaphore(%arg19 : memref<!tpu.dma_semaphore, #tpu.memory_space<semaphore_mem>>)
      %dma_start3A_325 = arith.constant 3 : i32
      %dma_start3A_326 = arith.constant 3 : i32
      %dma_start3A_327 = arith.constant 0 : i32
      %dma_start3A_328 = arith.constant 0 : i32
      %dma_start3A_329 = tpu.memref_slice %arg11[%dma_start3A_326, %dma_start3A_327, %dma_start3A_328] : memref<8x50x64xf32, #tpu.memory_space<vmem>> -> memref<1x50x64xf32, #tpu.memory_space<vmem>>
      %dma_start3A_330 = tpu.memref_squeeze %dma_start3A_329 : memref<1x50x64xf32, #tpu.memory_space<vmem>> -> memref<50x64xf32, #tpu.memory_space<vmem>>
      %dma_start3A_331 = arith.constant 0 : i32
      %dma_start3A_332 = tpu.memref_slice %arg7[%dma_start3A_325, %dma_start3A_331] : memref<8x50xi32, #tpu.memory_space<vmem>> -> memref<1x50xi32, #tpu.memory_space<vmem>>
      %dma_start3A_333 = tpu.memref_squeeze %dma_start3A_332 : memref<1x50xi32, #tpu.memory_space<vmem>> -> memref<50xi32, #tpu.memory_space<vmem>>
      %dma_start3A_334 = arith.constant 0 : i32
      %dma_start3A_335 = arith.constant 0 : i32
      %dma_start3A_336 = tpu.memref_slice %arg2[%dma_start3A_334, %dma_start3A_335] : memref<1000000x64xf32, #tpu.memory_space<hbm>> -> memref<1000000x64xf32, #tpu.memory_space<hbm>>
      tpu.enqueue_indirect_dma source(%dma_start3A_336 : memref<1000000x64xf32, #tpu.memory_space<hbm>>) target(%dma_start3A_330 : memref<50x64xf32, #tpu.memory_space<vmem>>) offsets(%dma_start3A_333 : memref<50xi32, #tpu.memory_space<vmem>>) semaphore(%arg19 : memref<!tpu.dma_semaphore, #tpu.memory_space<semaphore_mem>>)
      %dma_start3A_337 = arith.constant 4 : i32
      %dma_start3A_338 = arith.constant 4 : i32
      %dma_start3A_339 = arith.constant 0 : i32
      %dma_start3A_340 = arith.constant 0 : i32
      %dma_start3A_341 = tpu.memref_slice %arg11[%dma_start3A_338, %dma_start3A_339, %dma_start3A_340] : memref<8x50x64xf32, #tpu.memory_space<vmem>> -> memref<1x50x64xf32, #tpu.memory_space<vmem>>
      %dma_start3A_342 = tpu.memref_squeeze %dma_start3A_341 : memref<1x50x64xf32, #tpu.memory_space<vmem>> -> memref<50x64xf32, #tpu.memory_space<vmem>>
      %dma_start3A_343 = arith.constant 0 : i32
      %dma_start3A_344 = tpu.memref_slice %arg7[%dma_start3A_337, %dma_start3A_343] : memref<8x50xi32, #tpu.memory_space<vmem>> -> memref<1x50xi32, #tpu.memory_space<vmem>>
      %dma_start3A_345 = tpu.memref_squeeze %dma_start3A_344 : memref<1x50xi32, #tpu.memory_space<vmem>> -> memref<50xi32, #tpu.memory_space<vmem>>
      %dma_start3A_346 = arith.constant 0 : i32
      %dma_start3A_347 = arith.constant 0 : i32
      %dma_start3A_348 = tpu.memref_slice %arg2[%dma_start3A_346, %dma_start3A_347] : memref<1000000x64xf32, #tpu.memory_space<hbm>> -> memref<1000000x64xf32, #tpu.memory_space<hbm>>
      tpu.enqueue_indirect_dma source(%dma_start3A_348 : memref<1000000x64xf32, #tpu.memory_space<hbm>>) target(%dma_start3A_342 : memref<50x64xf32, #tpu.memory_space<vmem>>) offsets(%dma_start3A_345 : memref<50xi32, #tpu.memory_space<vmem>>) semaphore(%arg19 : memref<!tpu.dma_semaphore, #tpu.memory_space<semaphore_mem>>)
      %dma_start3A_349 = arith.constant 5 : i32
      %dma_start3A_350 = arith.constant 5 : i32
      %dma_start3A_351 = arith.constant 0 : i32
      %dma_start3A_352 = arith.constant 0 : i32
      %dma_start3A_353 = tpu.memref_slice %arg11[%dma_start3A_350, %dma_start3A_351, %dma_start3A_352] : memref<8x50x64xf32, #tpu.memory_space<vmem>> -> memref<1x50x64xf32, #tpu.memory_space<vmem>>
      %dma_start3A_354 = tpu.memref_squeeze %dma_start3A_353 : memref<1x50x64xf32, #tpu.memory_space<vmem>> -> memref<50x64xf32, #tpu.memory_space<vmem>>
      %dma_start3A_355 = arith.constant 0 : i32
      %dma_start3A_356 = tpu.memref_slice %arg7[%dma_start3A_349, %dma_start3A_355] : memref<8x50xi32, #tpu.memory_space<vmem>> -> memref<1x50xi32, #tpu.memory_space<vmem>>
      %dma_start3A_357 = tpu.memref_squeeze %dma_start3A_356 : memref<1x50xi32, #tpu.memory_space<vmem>> -> memref<50xi32, #tpu.memory_space<vmem>>
      %dma_start3A_358 = arith.constant 0 : i32
      %dma_start3A_359 = arith.constant 0 : i32
      %dma_start3A_360 = tpu.memref_slice %arg2[%dma_start3A_358, %dma_start3A_359] : memref<1000000x64xf32, #tpu.memory_space<hbm>> -> memref<1000000x64xf32, #tpu.memory_space<hbm>>
      tpu.enqueue_indirect_dma source(%dma_start3A_360 : memref<1000000x64xf32, #tpu.memory_space<hbm>>) target(%dma_start3A_354 : memref<50x64xf32, #tpu.memory_space<vmem>>) offsets(%dma_start3A_357 : memref<50xi32, #tpu.memory_space<vmem>>) semaphore(%arg19 : memref<!tpu.dma_semaphore, #tpu.memory_space<semaphore_mem>>)
      %dma_start3A_361 = arith.constant 6 : i32
      %dma_start3A_362 = arith.constant 6 : i32
      %dma_start3A_363 = arith.constant 0 : i32
      %dma_start3A_364 = arith.constant 0 : i32
      %dma_start3A_365 = tpu.memref_slice %arg11[%dma_start3A_362, %dma_start3A_363, %dma_start3A_364] : memref<8x50x64xf32, #tpu.memory_space<vmem>> -> memref<1x50x64xf32, #tpu.memory_space<vmem>>
      %dma_start3A_366 = tpu.memref_squeeze %dma_start3A_365 : memref<1x50x64xf32, #tpu.memory_space<vmem>> -> memref<50x64xf32, #tpu.memory_space<vmem>>
      %dma_start3A_367 = arith.constant 0 : i32
      %dma_start3A_368 = tpu.memref_slice %arg7[%dma_start3A_361, %dma_start3A_367] : memref<8x50xi32, #tpu.memory_space<vmem>> -> memref<1x50xi32, #tpu.memory_space<vmem>>
      %dma_start3A_369 = tpu.memref_squeeze %dma_start3A_368 : memref<1x50xi32, #tpu.memory_space<vmem>> -> memref<50xi32, #tpu.memory_space<vmem>>
      %dma_start3A_370 = arith.constant 0 : i32
      %dma_start3A_371 = arith.constant 0 : i32
      %dma_start3A_372 = tpu.memref_slice %arg2[%dma_start3A_370, %dma_start3A_371] : memref<1000000x64xf32, #tpu.memory_space<hbm>> -> memref<1000000x64xf32, #tpu.memory_space<hbm>>
      tpu.enqueue_indirect_dma source(%dma_start3A_372 : memref<1000000x64xf32, #tpu.memory_space<hbm>>) target(%dma_start3A_366 : memref<50x64xf32, #tpu.memory_space<vmem>>) offsets(%dma_start3A_369 : memref<50xi32, #tpu.memory_space<vmem>>) semaphore(%arg19 : memref<!tpu.dma_semaphore, #tpu.memory_space<semaphore_mem>>)
      %dma_start3A_373 = arith.constant 7 : i32
      %dma_start3A_374 = arith.constant 7 : i32
      %dma_start3A_375 = arith.constant 0 : i32
      %dma_start3A_376 = arith.constant 0 : i32
      %dma_start3A_377 = tpu.memref_slice %arg11[%dma_start3A_374, %dma_start3A_375, %dma_start3A_376] : memref<8x50x64xf32, #tpu.memory_space<vmem>> -> memref<1x50x64xf32, #tpu.memory_space<vmem>>
      %dma_start3A_378 = tpu.memref_squeeze %dma_start3A_377 : memref<1x50x64xf32, #tpu.memory_space<vmem>> -> memref<50x64xf32, #tpu.memory_space<vmem>>
      %dma_start3A_379 = arith.constant 0 : i32
      %dma_start3A_380 = tpu.memref_slice %arg7[%dma_start3A_373, %dma_start3A_379] : memref<8x50xi32, #tpu.memory_space<vmem>> -> memref<1x50xi32, #tpu.memory_space<vmem>>
      %dma_start3A_381 = tpu.memref_squeeze %dma_start3A_380 : memref<1x50xi32, #tpu.memory_space<vmem>> -> memref<50xi32, #tpu.memory_space<vmem>>
      %dma_start3A_382 = arith.constant 0 : i32
      %dma_start3A_383 = arith.constant 0 : i32
      %dma_start3A_384 = tpu.memref_slice %arg2[%dma_start3A_382, %dma_start3A_383] : memref<1000000x64xf32, #tpu.memory_space<hbm>> -> memref<1000000x64xf32, #tpu.memory_space<hbm>>
      tpu.enqueue_indirect_dma source(%dma_start3A_384 : memref<1000000x64xf32, #tpu.memory_space<hbm>>) target(%dma_start3A_378 : memref<50x64xf32, #tpu.memory_space<vmem>>) offsets(%dma_start3A_381 : memref<50xi32, #tpu.memory_space<vmem>>) semaphore(%arg19 : memref<!tpu.dma_semaphore, #tpu.memory_space<semaphore_mem>>)
      %dma_wait3A_385 = arith.constant 0 : i32
      %dma_wait3A_386 = arith.constant 0 : i32
      %dma_wait3A_387 = tpu.memref_slice %arg3[%dma_wait3A_385, %dma_wait3A_386] : memref<16384x50xi32, #tpu.memory_space<hbm>> -> memref<8x50xi32, #tpu.memory_space<hbm>>
      %dma_wait3A_388 = arith.constant 0 : i32
      %dma_wait3A_389 = arith.constant 0 : i32
      %dma_wait3A_390 = tpu.memref_slice %arg3[%dma_wait3A_388, %dma_wait3A_389] : memref<16384x50xi32, #tpu.memory_space<hbm>> -> memref<8x50xi32, #tpu.memory_space<hbm>>
      tpu.wait_dma2 semaphore(%arg16 : memref<!tpu.dma_semaphore, #tpu.memory_space<semaphore_mem>>) src(%dma_wait3A_390 : memref<8x50xi32, #tpu.memory_space<hbm>>) dst(%arg8 : memref<8x50xi32, #tpu.memory_space<vmem>>)
      %gt3A_391 = arith.constant 0 : i32
      %gt3A_392 = arith.cmpi sgt, %scan3A_63, %gt3A_391 : i32
      %convert_element_type3A_393 = arith.extui %gt3A_392 : i1 to i32
      %cond3A_394 = arith.constant 0 : i32
      %cond3A_395 = arith.cmpi ne, %convert_element_type3A_393, %cond3A_394 : i32
      scf.if %cond3A_395 {
        %dma_wait3A_948 = arith.constant 0 : i32
        %dma_wait3A_949 = arith.constant 0 : i32
        %dma_wait3A_950 = arith.constant 0 : i32
        %dma_wait3A_951 = tpu.memref_slice %arg4[%dma_wait3A_948, %dma_wait3A_949, %dma_wait3A_950] : memref<16384x50x64xf32, #tpu.memory_space<hbm>> -> memref<8x50x64xf32, #tpu.memory_space<hbm>>
        %dma_wait3A_952 = arith.constant 0 : i32
        %dma_wait3A_953 = arith.constant 0 : i32
        %dma_wait3A_954 = arith.constant 0 : i32
        %dma_wait3A_955 = tpu.memref_slice %arg4[%dma_wait3A_952, %dma_wait3A_953, %dma_wait3A_954] : memref<16384x50x64xf32, #tpu.memory_space<hbm>> -> memref<8x50x64xf32, #tpu.memory_space<hbm>>
        tpu.wait_dma2 semaphore(%arg24 : memref<!tpu.dma_semaphore, #tpu.memory_space<semaphore_mem>>) src(%arg12 : memref<8x50x64xf32, #tpu.memory_space<vmem>>) dst(%dma_wait3A_955 : memref<8x50x64xf32, #tpu.memory_space<hbm>>)
      } else {
      }
      %dma_start3A_396 = arith.constant 0 : i32
      %dma_start3A_397 = arith.constant 0 : i32
      %dma_start3A_398 = arith.constant 0 : i32
      %dma_start3A_399 = arith.constant 0 : i32
      %dma_start3A_400 = tpu.memref_slice %arg12[%dma_start3A_397, %dma_start3A_398, %dma_start3A_399] : memref<8x50x64xf32, #tpu.memory_space<vmem>> -> memref<1x50x64xf32, #tpu.memory_space<vmem>>
      %dma_start3A_401 = tpu.memref_squeeze %dma_start3A_400 : memref<1x50x64xf32, #tpu.memory_space<vmem>> -> memref<50x64xf32, #tpu.memory_space<vmem>>
      %dma_start3A_402 = arith.constant 0 : i32
      %dma_start3A_403 = tpu.memref_slice %arg8[%dma_start3A_396, %dma_start3A_402] : memref<8x50xi32, #tpu.memory_space<vmem>> -> memref<1x50xi32, #tpu.memory_space<vmem>>
      %dma_start3A_404 = tpu.memref_squeeze %dma_start3A_403 : memref<1x50xi32, #tpu.memory_space<vmem>> -> memref<50xi32, #tpu.memory_space<vmem>>
      %dma_start3A_405 = arith.constant 0 : i32
      %dma_start3A_406 = arith.constant 0 : i32
      %dma_start3A_407 = tpu.memref_slice %arg2[%dma_start3A_405, %dma_start3A_406] : memref<1000000x64xf32, #tpu.memory_space<hbm>> -> memref<1000000x64xf32, #tpu.memory_space<hbm>>
      tpu.enqueue_indirect_dma source(%dma_start3A_407 : memref<1000000x64xf32, #tpu.memory_space<hbm>>) target(%dma_start3A_401 : memref<50x64xf32, #tpu.memory_space<vmem>>) offsets(%dma_start3A_404 : memref<50xi32, #tpu.memory_space<vmem>>) semaphore(%arg20 : memref<!tpu.dma_semaphore, #tpu.memory_space<semaphore_mem>>)
      %dma_start3A_408 = arith.constant 1 : i32
      %dma_start3A_409 = arith.constant 1 : i32
      %dma_start3A_410 = arith.constant 0 : i32
      %dma_start3A_411 = arith.constant 0 : i32
      %dma_start3A_412 = tpu.memref_slice %arg12[%dma_start3A_409, %dma_start3A_410, %dma_start3A_411] : memref<8x50x64xf32, #tpu.memory_space<vmem>> -> memref<1x50x64xf32, #tpu.memory_space<vmem>>
      %dma_start3A_413 = tpu.memref_squeeze %dma_start3A_412 : memref<1x50x64xf32, #tpu.memory_space<vmem>> -> memref<50x64xf32, #tpu.memory_space<vmem>>
      %dma_start3A_414 = arith.constant 0 : i32
      %dma_start3A_415 = tpu.memref_slice %arg8[%dma_start3A_408, %dma_start3A_414] : memref<8x50xi32, #tpu.memory_space<vmem>> -> memref<1x50xi32, #tpu.memory_space<vmem>>
      %dma_start3A_416 = tpu.memref_squeeze %dma_start3A_415 : memref<1x50xi32, #tpu.memory_space<vmem>> -> memref<50xi32, #tpu.memory_space<vmem>>
      %dma_start3A_417 = arith.constant 0 : i32
      %dma_start3A_418 = arith.constant 0 : i32
      %dma_start3A_419 = tpu.memref_slice %arg2[%dma_start3A_417, %dma_start3A_418] : memref<1000000x64xf32, #tpu.memory_space<hbm>> -> memref<1000000x64xf32, #tpu.memory_space<hbm>>
      tpu.enqueue_indirect_dma source(%dma_start3A_419 : memref<1000000x64xf32, #tpu.memory_space<hbm>>) target(%dma_start3A_413 : memref<50x64xf32, #tpu.memory_space<vmem>>) offsets(%dma_start3A_416 : memref<50xi32, #tpu.memory_space<vmem>>) semaphore(%arg20 : memref<!tpu.dma_semaphore, #tpu.memory_space<semaphore_mem>>)
      %dma_start3A_420 = arith.constant 2 : i32
      %dma_start3A_421 = arith.constant 2 : i32
      %dma_start3A_422 = arith.constant 0 : i32
      %dma_start3A_423 = arith.constant 0 : i32
      %dma_start3A_424 = tpu.memref_slice %arg12[%dma_start3A_421, %dma_start3A_422, %dma_start3A_423] : memref<8x50x64xf32, #tpu.memory_space<vmem>> -> memref<1x50x64xf32, #tpu.memory_space<vmem>>
      %dma_start3A_425 = tpu.memref_squeeze %dma_start3A_424 : memref<1x50x64xf32, #tpu.memory_space<vmem>> -> memref<50x64xf32, #tpu.memory_space<vmem>>
      %dma_start3A_426 = arith.constant 0 : i32
      %dma_start3A_427 = tpu.memref_slice %arg8[%dma_start3A_420, %dma_start3A_426] : memref<8x50xi32, #tpu.memory_space<vmem>> -> memref<1x50xi32, #tpu.memory_space<vmem>>
      %dma_start3A_428 = tpu.memref_squeeze %dma_start3A_427 : memref<1x50xi32, #tpu.memory_space<vmem>> -> memref<50xi32, #tpu.memory_space<vmem>>
      %dma_start3A_429 = arith.constant 0 : i32
      %dma_start3A_430 = arith.constant 0 : i32
      %dma_start3A_431 = tpu.memref_slice %arg2[%dma_start3A_429, %dma_start3A_430] : memref<1000000x64xf32, #tpu.memory_space<hbm>> -> memref<1000000x64xf32, #tpu.memory_space<hbm>>
      tpu.enqueue_indirect_dma source(%dma_start3A_431 : memref<1000000x64xf32, #tpu.memory_space<hbm>>) target(%dma_start3A_425 : memref<50x64xf32, #tpu.memory_space<vmem>>) offsets(%dma_start3A_428 : memref<50xi32, #tpu.memory_space<vmem>>) semaphore(%arg20 : memref<!tpu.dma_semaphore, #tpu.memory_space<semaphore_mem>>)
      %dma_start3A_432 = arith.constant 3 : i32
      %dma_start3A_433 = arith.constant 3 : i32
      %dma_start3A_434 = arith.constant 0 : i32
      %dma_start3A_435 = arith.constant 0 : i32
      %dma_start3A_436 = tpu.memref_slice %arg12[%dma_start3A_433, %dma_start3A_434, %dma_start3A_435] : memref<8x50x64xf32, #tpu.memory_space<vmem>> -> memref<1x50x64xf32, #tpu.memory_space<vmem>>
      %dma_start3A_437 = tpu.memref_squeeze %dma_start3A_436 : memref<1x50x64xf32, #tpu.memory_space<vmem>> -> memref<50x64xf32, #tpu.memory_space<vmem>>
      %dma_start3A_438 = arith.constant 0 : i32
      %dma_start3A_439 = tpu.memref_slice %arg8[%dma_start3A_432, %dma_start3A_438] : memref<8x50xi32, #tpu.memory_space<vmem>> -> memref<1x50xi32, #tpu.memory_space<vmem>>
      %dma_start3A_440 = tpu.memref_squeeze %dma_start3A_439 : memref<1x50xi32, #tpu.memory_space<vmem>> -> memref<50xi32, #tpu.memory_space<vmem>>
      %dma_start3A_441 = arith.constant 0 : i32
      %dma_start3A_442 = arith.constant 0 : i32
      %dma_start3A_443 = tpu.memref_slice %arg2[%dma_start3A_441, %dma_start3A_442] : memref<1000000x64xf32, #tpu.memory_space<hbm>> -> memref<1000000x64xf32, #tpu.memory_space<hbm>>
      tpu.enqueue_indirect_dma source(%dma_start3A_443 : memref<1000000x64xf32, #tpu.memory_space<hbm>>) target(%dma_start3A_437 : memref<50x64xf32, #tpu.memory_space<vmem>>) offsets(%dma_start3A_440 : memref<50xi32, #tpu.memory_space<vmem>>) semaphore(%arg20 : memref<!tpu.dma_semaphore, #tpu.memory_space<semaphore_mem>>)
      %dma_start3A_444 = arith.constant 4 : i32
      %dma_start3A_445 = arith.constant 4 : i32
      %dma_start3A_446 = arith.constant 0 : i32
      %dma_start3A_447 = arith.constant 0 : i32
      %dma_start3A_448 = tpu.memref_slice %arg12[%dma_start3A_445, %dma_start3A_446, %dma_start3A_447] : memref<8x50x64xf32, #tpu.memory_space<vmem>> -> memref<1x50x64xf32, #tpu.memory_space<vmem>>
      %dma_start3A_449 = tpu.memref_squeeze %dma_start3A_448 : memref<1x50x64xf32, #tpu.memory_space<vmem>> -> memref<50x64xf32, #tpu.memory_space<vmem>>
      %dma_start3A_450 = arith.constant 0 : i32
      %dma_start3A_451 = tpu.memref_slice %arg8[%dma_start3A_444, %dma_start3A_450] : memref<8x50xi32, #tpu.memory_space<vmem>> -> memref<1x50xi32, #tpu.memory_space<vmem>>
      %dma_start3A_452 = tpu.memref_squeeze %dma_start3A_451 : memref<1x50xi32, #tpu.memory_space<vmem>> -> memref<50xi32, #tpu.memory_space<vmem>>
      %dma_start3A_453 = arith.constant 0 : i32
      %dma_start3A_454 = arith.constant 0 : i32
      %dma_start3A_455 = tpu.memref_slice %arg2[%dma_start3A_453, %dma_start3A_454] : memref<1000000x64xf32, #tpu.memory_space<hbm>> -> memref<1000000x64xf32, #tpu.memory_space<hbm>>
      tpu.enqueue_indirect_dma source(%dma_start3A_455 : memref<1000000x64xf32, #tpu.memory_space<hbm>>) target(%dma_start3A_449 : memref<50x64xf32, #tpu.memory_space<vmem>>) offsets(%dma_start3A_452 : memref<50xi32, #tpu.memory_space<vmem>>) semaphore(%arg20 : memref<!tpu.dma_semaphore, #tpu.memory_space<semaphore_mem>>)
      %dma_start3A_456 = arith.constant 5 : i32
      %dma_start3A_457 = arith.constant 5 : i32
      %dma_start3A_458 = arith.constant 0 : i32
      %dma_start3A_459 = arith.constant 0 : i32
      %dma_start3A_460 = tpu.memref_slice %arg12[%dma_start3A_457, %dma_start3A_458, %dma_start3A_459] : memref<8x50x64xf32, #tpu.memory_space<vmem>> -> memref<1x50x64xf32, #tpu.memory_space<vmem>>
      %dma_start3A_461 = tpu.memref_squeeze %dma_start3A_460 : memref<1x50x64xf32, #tpu.memory_space<vmem>> -> memref<50x64xf32, #tpu.memory_space<vmem>>
      %dma_start3A_462 = arith.constant 0 : i32
      %dma_start3A_463 = tpu.memref_slice %arg8[%dma_start3A_456, %dma_start3A_462] : memref<8x50xi32, #tpu.memory_space<vmem>> -> memref<1x50xi32, #tpu.memory_space<vmem>>
      %dma_start3A_464 = tpu.memref_squeeze %dma_start3A_463 : memref<1x50xi32, #tpu.memory_space<vmem>> -> memref<50xi32, #tpu.memory_space<vmem>>
      %dma_start3A_465 = arith.constant 0 : i32
      %dma_start3A_466 = arith.constant 0 : i32
      %dma_start3A_467 = tpu.memref_slice %arg2[%dma_start3A_465, %dma_start3A_466] : memref<1000000x64xf32, #tpu.memory_space<hbm>> -> memref<1000000x64xf32, #tpu.memory_space<hbm>>
      tpu.enqueue_indirect_dma source(%dma_start3A_467 : memref<1000000x64xf32, #tpu.memory_space<hbm>>) target(%dma_start3A_461 : memref<50x64xf32, #tpu.memory_space<vmem>>) offsets(%dma_start3A_464 : memref<50xi32, #tpu.memory_space<vmem>>) semaphore(%arg20 : memref<!tpu.dma_semaphore, #tpu.memory_space<semaphore_mem>>)
      %dma_start3A_468 = arith.constant 6 : i32
      %dma_start3A_469 = arith.constant 6 : i32
      %dma_start3A_470 = arith.constant 0 : i32
      %dma_start3A_471 = arith.constant 0 : i32
      %dma_start3A_472 = tpu.memref_slice %arg12[%dma_start3A_469, %dma_start3A_470, %dma_start3A_471] : memref<8x50x64xf32, #tpu.memory_space<vmem>> -> memref<1x50x64xf32, #tpu.memory_space<vmem>>
      %dma_start3A_473 = tpu.memref_squeeze %dma_start3A_472 : memref<1x50x64xf32, #tpu.memory_space<vmem>> -> memref<50x64xf32, #tpu.memory_space<vmem>>
      %dma_start3A_474 = arith.constant 0 : i32
      %dma_start3A_475 = tpu.memref_slice %arg8[%dma_start3A_468, %dma_start3A_474] : memref<8x50xi32, #tpu.memory_space<vmem>> -> memref<1x50xi32, #tpu.memory_space<vmem>>
      %dma_start3A_476 = tpu.memref_squeeze %dma_start3A_475 : memref<1x50xi32, #tpu.memory_space<vmem>> -> memref<50xi32, #tpu.memory_space<vmem>>
      %dma_start3A_477 = arith.constant 0 : i32
      %dma_start3A_478 = arith.constant 0 : i32
      %dma_start3A_479 = tpu.memref_slice %arg2[%dma_start3A_477, %dma_start3A_478] : memref<1000000x64xf32, #tpu.memory_space<hbm>> -> memref<1000000x64xf32, #tpu.memory_space<hbm>>
      tpu.enqueue_indirect_dma source(%dma_start3A_479 : memref<1000000x64xf32, #tpu.memory_space<hbm>>) target(%dma_start3A_473 : memref<50x64xf32, #tpu.memory_space<vmem>>) offsets(%dma_start3A_476 : memref<50xi32, #tpu.memory_space<vmem>>) semaphore(%arg20 : memref<!tpu.dma_semaphore, #tpu.memory_space<semaphore_mem>>)
      %dma_start3A_480 = arith.constant 7 : i32
      %dma_start3A_481 = arith.constant 7 : i32
      %dma_start3A_482 = arith.constant 0 : i32
      %dma_start3A_483 = arith.constant 0 : i32
      %dma_start3A_484 = tpu.memref_slice %arg12[%dma_start3A_481, %dma_start3A_482, %dma_start3A_483] : memref<8x50x64xf32, #tpu.memory_space<vmem>> -> memref<1x50x64xf32, #tpu.memory_space<vmem>>
      %dma_start3A_485 = tpu.memref_squeeze %dma_start3A_484 : memref<1x50x64xf32, #tpu.memory_space<vmem>> -> memref<50x64xf32, #tpu.memory_space<vmem>>
      %dma_start3A_486 = arith.constant 0 : i32
      %dma_start3A_487 = tpu.memref_slice %arg8[%dma_start3A_480, %dma_start3A_486] : memref<8x50xi32, #tpu.memory_space<vmem>> -> memref<1x50xi32, #tpu.memory_space<vmem>>
      %dma_start3A_488 = tpu.memref_squeeze %dma_start3A_487 : memref<1x50xi32, #tpu.memory_space<vmem>> -> memref<50xi32, #tpu.memory_space<vmem>>
      %dma_start3A_489 = arith.constant 0 : i32
      %dma_start3A_490 = arith.constant 0 : i32
      %dma_start3A_491 = tpu.memref_slice %arg2[%dma_start3A_489, %dma_start3A_490] : memref<1000000x64xf32, #tpu.memory_space<hbm>> -> memref<1000000x64xf32, #tpu.memory_space<hbm>>
      tpu.enqueue_indirect_dma source(%dma_start3A_491 : memref<1000000x64xf32, #tpu.memory_space<hbm>>) target(%dma_start3A_485 : memref<50x64xf32, #tpu.memory_space<vmem>>) offsets(%dma_start3A_488 : memref<50xi32, #tpu.memory_space<vmem>>) semaphore(%arg20 : memref<!tpu.dma_semaphore, #tpu.memory_space<semaphore_mem>>)
      %add3A_492 = arith.constant 0 : i32
      %add3A_493 = arith.addi %mul3A_66, %add3A_492 : i32
      %dma_wait3A_494 = arith.constant 0 : i32
      %dma_wait3A_495 = arith.constant 0 : i32
      %dma_wait3A_496 = arith.constant 0 : i32
      %dma_wait3A_497 = arith.constant 0 : i32
      %dma_wait3A_498 = tpu.memref_slice %arg9[%dma_wait3A_495, %dma_wait3A_496, %dma_wait3A_497] : memref<8x50x64xf32, #tpu.memory_space<vmem>> -> memref<1x50x64xf32, #tpu.memory_space<vmem>>
      %dma_wait3A_499 = tpu.memref_squeeze %dma_wait3A_498 : memref<1x50x64xf32, #tpu.memory_space<vmem>> -> memref<50x64xf32, #tpu.memory_space<vmem>>
      %dma_wait3A_500 = arith.constant 0 : i32
      %dma_wait3A_501 = tpu.memref_slice %arg5[%dma_wait3A_494, %dma_wait3A_500] : memref<8x50xi32, #tpu.memory_space<vmem>> -> memref<1x50xi32, #tpu.memory_space<vmem>>
      %dma_wait3A_502 = tpu.memref_squeeze %dma_wait3A_501 : memref<1x50xi32, #tpu.memory_space<vmem>> -> memref<50xi32, #tpu.memory_space<vmem>>
      %dma_wait3A_503 = arith.constant 0 : i32
      %dma_wait3A_504 = arith.constant 0 : i32
      %dma_wait3A_505 = tpu.memref_slice %arg2[%dma_wait3A_503, %dma_wait3A_504] : memref<1000000x64xf32, #tpu.memory_space<hbm>> -> memref<1000000x64xf32, #tpu.memory_space<hbm>>
      tpu.wait_indirect_dma semaphore(%arg17 : memref<!tpu.dma_semaphore, #tpu.memory_space<semaphore_mem>>) src(%dma_wait3A_505 : memref<1000000x64xf32, #tpu.memory_space<hbm>>) dst(%dma_wait3A_499 : memref<50x64xf32, #tpu.memory_space<vmem>>)
      %dma_wait3A_506 = arith.constant 0 : i32
      %dma_wait3A_507 = arith.constant 1 : i32
      %dma_wait3A_508 = arith.constant 0 : i32
      %dma_wait3A_509 = arith.constant 0 : i32
      %dma_wait3A_510 = tpu.memref_slice %arg9[%dma_wait3A_507, %dma_wait3A_508, %dma_wait3A_509] : memref<8x50x64xf32, #tpu.memory_space<vmem>> -> memref<1x50x64xf32, #tpu.memory_space<vmem>>
      %dma_wait3A_511 = tpu.memref_squeeze %dma_wait3A_510 : memref<1x50x64xf32, #tpu.memory_space<vmem>> -> memref<50x64xf32, #tpu.memory_space<vmem>>
      %dma_wait3A_512 = arith.constant 0 : i32
      %dma_wait3A_513 = tpu.memref_slice %arg5[%dma_wait3A_506, %dma_wait3A_512] : memref<8x50xi32, #tpu.memory_space<vmem>> -> memref<1x50xi32, #tpu.memory_space<vmem>>
      %dma_wait3A_514 = tpu.memref_squeeze %dma_wait3A_513 : memref<1x50xi32, #tpu.memory_space<vmem>> -> memref<50xi32, #tpu.memory_space<vmem>>
      %dma_wait3A_515 = arith.constant 0 : i32
      %dma_wait3A_516 = arith.constant 0 : i32
      %dma_wait3A_517 = tpu.memref_slice %arg2[%dma_wait3A_515, %dma_wait3A_516] : memref<1000000x64xf32, #tpu.memory_space<hbm>> -> memref<1000000x64xf32, #tpu.memory_space<hbm>>
      tpu.wait_indirect_dma semaphore(%arg17 : memref<!tpu.dma_semaphore, #tpu.memory_space<semaphore_mem>>) src(%dma_wait3A_517 : memref<1000000x64xf32, #tpu.memory_space<hbm>>) dst(%dma_wait3A_511 : memref<50x64xf32, #tpu.memory_space<vmem>>)
      %dma_wait3A_518 = arith.constant 0 : i32
      %dma_wait3A_519 = arith.constant 2 : i32
      %dma_wait3A_520 = arith.constant 0 : i32
      %dma_wait3A_521 = arith.constant 0 : i32
      %dma_wait3A_522 = tpu.memref_slice %arg9[%dma_wait3A_519, %dma_wait3A_520, %dma_wait3A_521] : memref<8x50x64xf32, #tpu.memory_space<vmem>> -> memref<1x50x64xf32, #tpu.memory_space<vmem>>
      %dma_wait3A_523 = tpu.memref_squeeze %dma_wait3A_522 : memref<1x50x64xf32, #tpu.memory_space<vmem>> -> memref<50x64xf32, #tpu.memory_space<vmem>>
      %dma_wait3A_524 = arith.constant 0 : i32
      %dma_wait3A_525 = tpu.memref_slice %arg5[%dma_wait3A_518, %dma_wait3A_524] : memref<8x50xi32, #tpu.memory_space<vmem>> -> memref<1x50xi32, #tpu.memory_space<vmem>>
      %dma_wait3A_526 = tpu.memref_squeeze %dma_wait3A_525 : memref<1x50xi32, #tpu.memory_space<vmem>> -> memref<50xi32, #tpu.memory_space<vmem>>
      %dma_wait3A_527 = arith.constant 0 : i32
      %dma_wait3A_528 = arith.constant 0 : i32
      %dma_wait3A_529 = tpu.memref_slice %arg2[%dma_wait3A_527, %dma_wait3A_528] : memref<1000000x64xf32, #tpu.memory_space<hbm>> -> memref<1000000x64xf32, #tpu.memory_space<hbm>>
      tpu.wait_indirect_dma semaphore(%arg17 : memref<!tpu.dma_semaphore, #tpu.memory_space<semaphore_mem>>) src(%dma_wait3A_529 : memref<1000000x64xf32, #tpu.memory_space<hbm>>) dst(%dma_wait3A_523 : memref<50x64xf32, #tpu.memory_space<vmem>>)
      %dma_wait3A_530 = arith.constant 0 : i32
      %dma_wait3A_531 = arith.constant 3 : i32
      %dma_wait3A_532 = arith.constant 0 : i32
      %dma_wait3A_533 = arith.constant 0 : i32
      %dma_wait3A_534 = tpu.memref_slice %arg9[%dma_wait3A_531, %dma_wait3A_532, %dma_wait3A_533] : memref<8x50x64xf32, #tpu.memory_space<vmem>> -> memref<1x50x64xf32, #tpu.memory_space<vmem>>
      %dma_wait3A_535 = tpu.memref_squeeze %dma_wait3A_534 : memref<1x50x64xf32, #tpu.memory_space<vmem>> -> memref<50x64xf32, #tpu.memory_space<vmem>>
      %dma_wait3A_536 = arith.constant 0 : i32
      %dma_wait3A_537 = tpu.memref_slice %arg5[%dma_wait3A_530, %dma_wait3A_536] : memref<8x50xi32, #tpu.memory_space<vmem>> -> memref<1x50xi32, #tpu.memory_space<vmem>>
      %dma_wait3A_538 = tpu.memref_squeeze %dma_wait3A_537 : memref<1x50xi32, #tpu.memory_space<vmem>> -> memref<50xi32, #tpu.memory_space<vmem>>
      %dma_wait3A_539 = arith.constant 0 : i32
      %dma_wait3A_540 = arith.constant 0 : i32
      %dma_wait3A_541 = tpu.memref_slice %arg2[%dma_wait3A_539, %dma_wait3A_540] : memref<1000000x64xf32, #tpu.memory_space<hbm>> -> memref<1000000x64xf32, #tpu.memory_space<hbm>>
      tpu.wait_indirect_dma semaphore(%arg17 : memref<!tpu.dma_semaphore, #tpu.memory_space<semaphore_mem>>) src(%dma_wait3A_541 : memref<1000000x64xf32, #tpu.memory_space<hbm>>) dst(%dma_wait3A_535 : memref<50x64xf32, #tpu.memory_space<vmem>>)
      %dma_wait3A_542 = arith.constant 0 : i32
      %dma_wait3A_543 = arith.constant 4 : i32
      %dma_wait3A_544 = arith.constant 0 : i32
      %dma_wait3A_545 = arith.constant 0 : i32
      %dma_wait3A_546 = tpu.memref_slice %arg9[%dma_wait3A_543, %dma_wait3A_544, %dma_wait3A_545] : memref<8x50x64xf32, #tpu.memory_space<vmem>> -> memref<1x50x64xf32, #tpu.memory_space<vmem>>
      %dma_wait3A_547 = tpu.memref_squeeze %dma_wait3A_546 : memref<1x50x64xf32, #tpu.memory_space<vmem>> -> memref<50x64xf32, #tpu.memory_space<vmem>>
      %dma_wait3A_548 = arith.constant 0 : i32
      %dma_wait3A_549 = tpu.memref_slice %arg5[%dma_wait3A_542, %dma_wait3A_548] : memref<8x50xi32, #tpu.memory_space<vmem>> -> memref<1x50xi32, #tpu.memory_space<vmem>>
      %dma_wait3A_550 = tpu.memref_squeeze %dma_wait3A_549 : memref<1x50xi32, #tpu.memory_space<vmem>> -> memref<50xi32, #tpu.memory_space<vmem>>
      %dma_wait3A_551 = arith.constant 0 : i32
      %dma_wait3A_552 = arith.constant 0 : i32
      %dma_wait3A_553 = tpu.memref_slice %arg2[%dma_wait3A_551, %dma_wait3A_552] : memref<1000000x64xf32, #tpu.memory_space<hbm>> -> memref<1000000x64xf32, #tpu.memory_space<hbm>>
      tpu.wait_indirect_dma semaphore(%arg17 : memref<!tpu.dma_semaphore, #tpu.memory_space<semaphore_mem>>) src(%dma_wait3A_553 : memref<1000000x64xf32, #tpu.memory_space<hbm>>) dst(%dma_wait3A_547 : memref<50x64xf32, #tpu.memory_space<vmem>>)
      %dma_wait3A_554 = arith.constant 0 : i32
      %dma_wait3A_555 = arith.constant 5 : i32
      %dma_wait3A_556 = arith.constant 0 : i32
      %dma_wait3A_557 = arith.constant 0 : i32
      %dma_wait3A_558 = tpu.memref_slice %arg9[%dma_wait3A_555, %dma_wait3A_556, %dma_wait3A_557] : memref<8x50x64xf32, #tpu.memory_space<vmem>> -> memref<1x50x64xf32, #tpu.memory_space<vmem>>
      %dma_wait3A_559 = tpu.memref_squeeze %dma_wait3A_558 : memref<1x50x64xf32, #tpu.memory_space<vmem>> -> memref<50x64xf32, #tpu.memory_space<vmem>>
      %dma_wait3A_560 = arith.constant 0 : i32
      %dma_wait3A_561 = tpu.memref_slice %arg5[%dma_wait3A_554, %dma_wait3A_560] : memref<8x50xi32, #tpu.memory_space<vmem>> -> memref<1x50xi32, #tpu.memory_space<vmem>>
      %dma_wait3A_562 = tpu.memref_squeeze %dma_wait3A_561 : memref<1x50xi32, #tpu.memory_space<vmem>> -> memref<50xi32, #tpu.memory_space<vmem>>
      %dma_wait3A_563 = arith.constant 0 : i32
      %dma_wait3A_564 = arith.constant 0 : i32
      %dma_wait3A_565 = tpu.memref_slice %arg2[%dma_wait3A_563, %dma_wait3A_564] : memref<1000000x64xf32, #tpu.memory_space<hbm>> -> memref<1000000x64xf32, #tpu.memory_space<hbm>>
      tpu.wait_indirect_dma semaphore(%arg17 : memref<!tpu.dma_semaphore, #tpu.memory_space<semaphore_mem>>) src(%dma_wait3A_565 : memref<1000000x64xf32, #tpu.memory_space<hbm>>) dst(%dma_wait3A_559 : memref<50x64xf32, #tpu.memory_space<vmem>>)
      %dma_wait3A_566 = arith.constant 0 : i32
      %dma_wait3A_567 = arith.constant 6 : i32
      %dma_wait3A_568 = arith.constant 0 : i32
      %dma_wait3A_569 = arith.constant 0 : i32
      %dma_wait3A_570 = tpu.memref_slice %arg9[%dma_wait3A_567, %dma_wait3A_568, %dma_wait3A_569] : memref<8x50x64xf32, #tpu.memory_space<vmem>> -> memref<1x50x64xf32, #tpu.memory_space<vmem>>
      %dma_wait3A_571 = tpu.memref_squeeze %dma_wait3A_570 : memref<1x50x64xf32, #tpu.memory_space<vmem>> -> memref<50x64xf32, #tpu.memory_space<vmem>>
      %dma_wait3A_572 = arith.constant 0 : i32
      %dma_wait3A_573 = tpu.memref_slice %arg5[%dma_wait3A_566, %dma_wait3A_572] : memref<8x50xi32, #tpu.memory_space<vmem>> -> memref<1x50xi32, #tpu.memory_space<vmem>>
      %dma_wait3A_574 = tpu.memref_squeeze %dma_wait3A_573 : memref<1x50xi32, #tpu.memory_space<vmem>> -> memref<50xi32, #tpu.memory_space<vmem>>
      %dma_wait3A_575 = arith.constant 0 : i32
      %dma_wait3A_576 = arith.constant 0 : i32
      %dma_wait3A_577 = tpu.memref_slice %arg2[%dma_wait3A_575, %dma_wait3A_576] : memref<1000000x64xf32, #tpu.memory_space<hbm>> -> memref<1000000x64xf32, #tpu.memory_space<hbm>>
      tpu.wait_indirect_dma semaphore(%arg17 : memref<!tpu.dma_semaphore, #tpu.memory_space<semaphore_mem>>) src(%dma_wait3A_577 : memref<1000000x64xf32, #tpu.memory_space<hbm>>) dst(%dma_wait3A_571 : memref<50x64xf32, #tpu.memory_space<vmem>>)
      %dma_wait3A_578 = arith.constant 0 : i32
      %dma_wait3A_579 = arith.constant 7 : i32
      %dma_wait3A_580 = arith.constant 0 : i32
      %dma_wait3A_581 = arith.constant 0 : i32
      %dma_wait3A_582 = tpu.memref_slice %arg9[%dma_wait3A_579, %dma_wait3A_580, %dma_wait3A_581] : memref<8x50x64xf32, #tpu.memory_space<vmem>> -> memref<1x50x64xf32, #tpu.memory_space<vmem>>
      %dma_wait3A_583 = tpu.memref_squeeze %dma_wait3A_582 : memref<1x50x64xf32, #tpu.memory_space<vmem>> -> memref<50x64xf32, #tpu.memory_space<vmem>>
      %dma_wait3A_584 = arith.constant 0 : i32
      %dma_wait3A_585 = tpu.memref_slice %arg5[%dma_wait3A_578, %dma_wait3A_584] : memref<8x50xi32, #tpu.memory_space<vmem>> -> memref<1x50xi32, #tpu.memory_space<vmem>>
      %dma_wait3A_586 = tpu.memref_squeeze %dma_wait3A_585 : memref<1x50xi32, #tpu.memory_space<vmem>> -> memref<50xi32, #tpu.memory_space<vmem>>
      %dma_wait3A_587 = arith.constant 0 : i32
      %dma_wait3A_588 = arith.constant 0 : i32
      %dma_wait3A_589 = tpu.memref_slice %arg2[%dma_wait3A_587, %dma_wait3A_588] : memref<1000000x64xf32, #tpu.memory_space<hbm>> -> memref<1000000x64xf32, #tpu.memory_space<hbm>>
      tpu.wait_indirect_dma semaphore(%arg17 : memref<!tpu.dma_semaphore, #tpu.memory_space<semaphore_mem>>) src(%dma_wait3A_589 : memref<1000000x64xf32, #tpu.memory_space<hbm>>) dst(%dma_wait3A_583 : memref<50x64xf32, #tpu.memory_space<vmem>>)
      %mul3A_590 = arith.constant 8 : i32
      %mul3A_591 = arith.muli %add3A_493, %mul3A_590 : i32
      %add3A_592 = arith.addi %mul3A_2, %mul3A_591 : i32
      %dma_start3A_593 = arith.constant 0 : i32
      %dma_start3A_594 = arith.constant 0 : i32
      %dma_start3A_595 = tpu.memref_slice %arg4[%add3A_592, %dma_start3A_593, %dma_start3A_594] : memref<16384x50x64xf32, #tpu.memory_space<hbm>> -> memref<8x50x64xf32, #tpu.memory_space<hbm>>
      %dma_start3A_596 = arith.constant 0 : i32
      %dma_start3A_597 = arith.constant 0 : i32
      %dma_start3A_598 = tpu.memref_slice %arg4[%add3A_592, %dma_start3A_596, %dma_start3A_597] : memref<16384x50x64xf32, #tpu.memory_space<hbm>> -> memref<8x50x64xf32, #tpu.memory_space<hbm>>
      tpu.enqueue_dma source(%arg9 : memref<8x50x64xf32, #tpu.memory_space<vmem>>) target(%dma_start3A_598 : memref<8x50x64xf32, #tpu.memory_space<hbm>>) target_semaphore(%arg21 : memref<!tpu.dma_semaphore, #tpu.memory_space<semaphore_mem>>)
      %add3A_599 = arith.constant 4 : i32
      %add3A_600 = arith.addi %add3A_493, %add3A_599 : i32
      %lt3A = arith.constant 64 : i32
      %lt3A_601 = arith.cmpi slt, %add3A_600, %lt3A : i32
      %convert_element_type3A_602 = arith.extui %lt3A_601 : i1 to i32
      %cond3A_603 = arith.constant 0 : i32
      %cond3A_604 = arith.cmpi ne, %convert_element_type3A_602, %cond3A_603 : i32
      scf.if %cond3A_604 {
        %add3A_948 = arith.constant 4 : i32
        %add3A_949 = arith.addi %add3A_493, %add3A_948 : i32
        %mul3A_950 = arith.constant 8 : i32
        %mul3A_951 = arith.muli %add3A_949, %mul3A_950 : i32
        %add3A_952 = arith.addi %mul3A_2, %mul3A_951 : i32
        %dma_start3A_953 = arith.constant 0 : i32
        %dma_start3A_954 = tpu.memref_slice %arg3[%add3A_952, %dma_start3A_953] : memref<16384x50xi32, #tpu.memory_space<hbm>> -> memref<8x50xi32, #tpu.memory_space<hbm>>
        %dma_start3A_955 = arith.constant 0 : i32
        %dma_start3A_956 = tpu.memref_slice %arg3[%add3A_952, %dma_start3A_955] : memref<16384x50xi32, #tpu.memory_space<hbm>> -> memref<8x50xi32, #tpu.memory_space<hbm>>
        tpu.enqueue_dma source(%dma_start3A_956 : memref<8x50xi32, #tpu.memory_space<hbm>>) target(%arg5 : memref<8x50xi32, #tpu.memory_space<vmem>>) target_semaphore(%arg13 : memref<!tpu.dma_semaphore, #tpu.memory_space<semaphore_mem>>)
      } else {
      }
      %add3A_605 = arith.constant 1 : i32
      %add3A_606 = arith.addi %mul3A_66, %add3A_605 : i32
      %dma_wait3A_607 = arith.constant 0 : i32
      %dma_wait3A_608 = arith.constant 0 : i32
      %dma_wait3A_609 = arith.constant 0 : i32
      %dma_wait3A_610 = arith.constant 0 : i32
      %dma_wait3A_611 = tpu.memref_slice %arg10[%dma_wait3A_608, %dma_wait3A_609, %dma_wait3A_610] : memref<8x50x64xf32, #tpu.memory_space<vmem>> -> memref<1x50x64xf32, #tpu.memory_space<vmem>>
      %dma_wait3A_612 = tpu.memref_squeeze %dma_wait3A_611 : memref<1x50x64xf32, #tpu.memory_space<vmem>> -> memref<50x64xf32, #tpu.memory_space<vmem>>
      %dma_wait3A_613 = arith.constant 0 : i32
      %dma_wait3A_614 = tpu.memref_slice %arg6[%dma_wait3A_607, %dma_wait3A_613] : memref<8x50xi32, #tpu.memory_space<vmem>> -> memref<1x50xi32, #tpu.memory_space<vmem>>
      %dma_wait3A_615 = tpu.memref_squeeze %dma_wait3A_614 : memref<1x50xi32, #tpu.memory_space<vmem>> -> memref<50xi32, #tpu.memory_space<vmem>>
      %dma_wait3A_616 = arith.constant 0 : i32
      %dma_wait3A_617 = arith.constant 0 : i32
      %dma_wait3A_618 = tpu.memref_slice %arg2[%dma_wait3A_616, %dma_wait3A_617] : memref<1000000x64xf32, #tpu.memory_space<hbm>> -> memref<1000000x64xf32, #tpu.memory_space<hbm>>
      tpu.wait_indirect_dma semaphore(%arg18 : memref<!tpu.dma_semaphore, #tpu.memory_space<semaphore_mem>>) src(%dma_wait3A_618 : memref<1000000x64xf32, #tpu.memory_space<hbm>>) dst(%dma_wait3A_612 : memref<50x64xf32, #tpu.memory_space<vmem>>)
      %dma_wait3A_619 = arith.constant 0 : i32
      %dma_wait3A_620 = arith.constant 1 : i32
      %dma_wait3A_621 = arith.constant 0 : i32
      %dma_wait3A_622 = arith.constant 0 : i32
      %dma_wait3A_623 = tpu.memref_slice %arg10[%dma_wait3A_620, %dma_wait3A_621, %dma_wait3A_622] : memref<8x50x64xf32, #tpu.memory_space<vmem>> -> memref<1x50x64xf32, #tpu.memory_space<vmem>>
      %dma_wait3A_624 = tpu.memref_squeeze %dma_wait3A_623 : memref<1x50x64xf32, #tpu.memory_space<vmem>> -> memref<50x64xf32, #tpu.memory_space<vmem>>
      %dma_wait3A_625 = arith.constant 0 : i32
      %dma_wait3A_626 = tpu.memref_slice %arg6[%dma_wait3A_619, %dma_wait3A_625] : memref<8x50xi32, #tpu.memory_space<vmem>> -> memref<1x50xi32, #tpu.memory_space<vmem>>
      %dma_wait3A_627 = tpu.memref_squeeze %dma_wait3A_626 : memref<1x50xi32, #tpu.memory_space<vmem>> -> memref<50xi32, #tpu.memory_space<vmem>>
      %dma_wait3A_628 = arith.constant 0 : i32
      %dma_wait3A_629 = arith.constant 0 : i32
      %dma_wait3A_630 = tpu.memref_slice %arg2[%dma_wait3A_628, %dma_wait3A_629] : memref<1000000x64xf32, #tpu.memory_space<hbm>> -> memref<1000000x64xf32, #tpu.memory_space<hbm>>
      tpu.wait_indirect_dma semaphore(%arg18 : memref<!tpu.dma_semaphore, #tpu.memory_space<semaphore_mem>>) src(%dma_wait3A_630 : memref<1000000x64xf32, #tpu.memory_space<hbm>>) dst(%dma_wait3A_624 : memref<50x64xf32, #tpu.memory_space<vmem>>)
      %dma_wait3A_631 = arith.constant 0 : i32
      %dma_wait3A_632 = arith.constant 2 : i32
      %dma_wait3A_633 = arith.constant 0 : i32
      %dma_wait3A_634 = arith.constant 0 : i32
      %dma_wait3A_635 = tpu.memref_slice %arg10[%dma_wait3A_632, %dma_wait3A_633, %dma_wait3A_634] : memref<8x50x64xf32, #tpu.memory_space<vmem>> -> memref<1x50x64xf32, #tpu.memory_space<vmem>>
      %dma_wait3A_636 = tpu.memref_squeeze %dma_wait3A_635 : memref<1x50x64xf32, #tpu.memory_space<vmem>> -> memref<50x64xf32, #tpu.memory_space<vmem>>
      %dma_wait3A_637 = arith.constant 0 : i32
      %dma_wait3A_638 = tpu.memref_slice %arg6[%dma_wait3A_631, %dma_wait3A_637] : memref<8x50xi32, #tpu.memory_space<vmem>> -> memref<1x50xi32, #tpu.memory_space<vmem>>
      %dma_wait3A_639 = tpu.memref_squeeze %dma_wait3A_638 : memref<1x50xi32, #tpu.memory_space<vmem>> -> memref<50xi32, #tpu.memory_space<vmem>>
      %dma_wait3A_640 = arith.constant 0 : i32
      %dma_wait3A_641 = arith.constant 0 : i32
      %dma_wait3A_642 = tpu.memref_slice %arg2[%dma_wait3A_640, %dma_wait3A_641] : memref<1000000x64xf32, #tpu.memory_space<hbm>> -> memref<1000000x64xf32, #tpu.memory_space<hbm>>
      tpu.wait_indirect_dma semaphore(%arg18 : memref<!tpu.dma_semaphore, #tpu.memory_space<semaphore_mem>>) src(%dma_wait3A_642 : memref<1000000x64xf32, #tpu.memory_space<hbm>>) dst(%dma_wait3A_636 : memref<50x64xf32, #tpu.memory_space<vmem>>)
      %dma_wait3A_643 = arith.constant 0 : i32
      %dma_wait3A_644 = arith.constant 3 : i32
      %dma_wait3A_645 = arith.constant 0 : i32
      %dma_wait3A_646 = arith.constant 0 : i32
      %dma_wait3A_647 = tpu.memref_slice %arg10[%dma_wait3A_644, %dma_wait3A_645, %dma_wait3A_646] : memref<8x50x64xf32, #tpu.memory_space<vmem>> -> memref<1x50x64xf32, #tpu.memory_space<vmem>>
      %dma_wait3A_648 = tpu.memref_squeeze %dma_wait3A_647 : memref<1x50x64xf32, #tpu.memory_space<vmem>> -> memref<50x64xf32, #tpu.memory_space<vmem>>
      %dma_wait3A_649 = arith.constant 0 : i32
      %dma_wait3A_650 = tpu.memref_slice %arg6[%dma_wait3A_643, %dma_wait3A_649] : memref<8x50xi32, #tpu.memory_space<vmem>> -> memref<1x50xi32, #tpu.memory_space<vmem>>
      %dma_wait3A_651 = tpu.memref_squeeze %dma_wait3A_650 : memref<1x50xi32, #tpu.memory_space<vmem>> -> memref<50xi32, #tpu.memory_space<vmem>>
      %dma_wait3A_652 = arith.constant 0 : i32
      %dma_wait3A_653 = arith.constant 0 : i32
      %dma_wait3A_654 = tpu.memref_slice %arg2[%dma_wait3A_652, %dma_wait3A_653] : memref<1000000x64xf32, #tpu.memory_space<hbm>> -> memref<1000000x64xf32, #tpu.memory_space<hbm>>
      tpu.wait_indirect_dma semaphore(%arg18 : memref<!tpu.dma_semaphore, #tpu.memory_space<semaphore_mem>>) src(%dma_wait3A_654 : memref<1000000x64xf32, #tpu.memory_space<hbm>>) dst(%dma_wait3A_648 : memref<50x64xf32, #tpu.memory_space<vmem>>)
      %dma_wait3A_655 = arith.constant 0 : i32
      %dma_wait3A_656 = arith.constant 4 : i32
      %dma_wait3A_657 = arith.constant 0 : i32
      %dma_wait3A_658 = arith.constant 0 : i32
      %dma_wait3A_659 = tpu.memref_slice %arg10[%dma_wait3A_656, %dma_wait3A_657, %dma_wait3A_658] : memref<8x50x64xf32, #tpu.memory_space<vmem>> -> memref<1x50x64xf32, #tpu.memory_space<vmem>>
      %dma_wait3A_660 = tpu.memref_squeeze %dma_wait3A_659 : memref<1x50x64xf32, #tpu.memory_space<vmem>> -> memref<50x64xf32, #tpu.memory_space<vmem>>
      %dma_wait3A_661 = arith.constant 0 : i32
      %dma_wait3A_662 = tpu.memref_slice %arg6[%dma_wait3A_655, %dma_wait3A_661] : memref<8x50xi32, #tpu.memory_space<vmem>> -> memref<1x50xi32, #tpu.memory_space<vmem>>
      %dma_wait3A_663 = tpu.memref_squeeze %dma_wait3A_662 : memref<1x50xi32, #tpu.memory_space<vmem>> -> memref<50xi32, #tpu.memory_space<vmem>>
      %dma_wait3A_664 = arith.constant 0 : i32
      %dma_wait3A_665 = arith.constant 0 : i32
      %dma_wait3A_666 = tpu.memref_slice %arg2[%dma_wait3A_664, %dma_wait3A_665] : memref<1000000x64xf32, #tpu.memory_space<hbm>> -> memref<1000000x64xf32, #tpu.memory_space<hbm>>
      tpu.wait_indirect_dma semaphore(%arg18 : memref<!tpu.dma_semaphore, #tpu.memory_space<semaphore_mem>>) src(%dma_wait3A_666 : memref<1000000x64xf32, #tpu.memory_space<hbm>>) dst(%dma_wait3A_660 : memref<50x64xf32, #tpu.memory_space<vmem>>)
      %dma_wait3A_667 = arith.constant 0 : i32
      %dma_wait3A_668 = arith.constant 5 : i32
      %dma_wait3A_669 = arith.constant 0 : i32
      %dma_wait3A_670 = arith.constant 0 : i32
      %dma_wait3A_671 = tpu.memref_slice %arg10[%dma_wait3A_668, %dma_wait3A_669, %dma_wait3A_670] : memref<8x50x64xf32, #tpu.memory_space<vmem>> -> memref<1x50x64xf32, #tpu.memory_space<vmem>>
      %dma_wait3A_672 = tpu.memref_squeeze %dma_wait3A_671 : memref<1x50x64xf32, #tpu.memory_space<vmem>> -> memref<50x64xf32, #tpu.memory_space<vmem>>
      %dma_wait3A_673 = arith.constant 0 : i32
      %dma_wait3A_674 = tpu.memref_slice %arg6[%dma_wait3A_667, %dma_wait3A_673] : memref<8x50xi32, #tpu.memory_space<vmem>> -> memref<1x50xi32, #tpu.memory_space<vmem>>
      %dma_wait3A_675 = tpu.memref_squeeze %dma_wait3A_674 : memref<1x50xi32, #tpu.memory_space<vmem>> -> memref<50xi32, #tpu.memory_space<vmem>>
      %dma_wait3A_676 = arith.constant 0 : i32
      %dma_wait3A_677 = arith.constant 0 : i32
      %dma_wait3A_678 = tpu.memref_slice %arg2[%dma_wait3A_676, %dma_wait3A_677] : memref<1000000x64xf32, #tpu.memory_space<hbm>> -> memref<1000000x64xf32, #tpu.memory_space<hbm>>
      tpu.wait_indirect_dma semaphore(%arg18 : memref<!tpu.dma_semaphore, #tpu.memory_space<semaphore_mem>>) src(%dma_wait3A_678 : memref<1000000x64xf32, #tpu.memory_space<hbm>>) dst(%dma_wait3A_672 : memref<50x64xf32, #tpu.memory_space<vmem>>)
      %dma_wait3A_679 = arith.constant 0 : i32
      %dma_wait3A_680 = arith.constant 6 : i32
      %dma_wait3A_681 = arith.constant 0 : i32
      %dma_wait3A_682 = arith.constant 0 : i32
      %dma_wait3A_683 = tpu.memref_slice %arg10[%dma_wait3A_680, %dma_wait3A_681, %dma_wait3A_682] : memref<8x50x64xf32, #tpu.memory_space<vmem>> -> memref<1x50x64xf32, #tpu.memory_space<vmem>>
      %dma_wait3A_684 = tpu.memref_squeeze %dma_wait3A_683 : memref<1x50x64xf32, #tpu.memory_space<vmem>> -> memref<50x64xf32, #tpu.memory_space<vmem>>
      %dma_wait3A_685 = arith.constant 0 : i32
      %dma_wait3A_686 = tpu.memref_slice %arg6[%dma_wait3A_679, %dma_wait3A_685] : memref<8x50xi32, #tpu.memory_space<vmem>> -> memref<1x50xi32, #tpu.memory_space<vmem>>
      %dma_wait3A_687 = tpu.memref_squeeze %dma_wait3A_686 : memref<1x50xi32, #tpu.memory_space<vmem>> -> memref<50xi32, #tpu.memory_space<vmem>>
      %dma_wait3A_688 = arith.constant 0 : i32
      %dma_wait3A_689 = arith.constant 0 : i32
      %dma_wait3A_690 = tpu.memref_slice %arg2[%dma_wait3A_688, %dma_wait3A_689] : memref<1000000x64xf32, #tpu.memory_space<hbm>> -> memref<1000000x64xf32, #tpu.memory_space<hbm>>
      tpu.wait_indirect_dma semaphore(%arg18 : memref<!tpu.dma_semaphore, #tpu.memory_space<semaphore_mem>>) src(%dma_wait3A_690 : memref<1000000x64xf32, #tpu.memory_space<hbm>>) dst(%dma_wait3A_684 : memref<50x64xf32, #tpu.memory_space<vmem>>)
      %dma_wait3A_691 = arith.constant 0 : i32
      %dma_wait3A_692 = arith.constant 7 : i32
      %dma_wait3A_693 = arith.constant 0 : i32
      %dma_wait3A_694 = arith.constant 0 : i32
      %dma_wait3A_695 = tpu.memref_slice %arg10[%dma_wait3A_692, %dma_wait3A_693, %dma_wait3A_694] : memref<8x50x64xf32, #tpu.memory_space<vmem>> -> memref<1x50x64xf32, #tpu.memory_space<vmem>>
      %dma_wait3A_696 = tpu.memref_squeeze %dma_wait3A_695 : memref<1x50x64xf32, #tpu.memory_space<vmem>> -> memref<50x64xf32, #tpu.memory_space<vmem>>
      %dma_wait3A_697 = arith.constant 0 : i32
      %dma_wait3A_698 = tpu.memref_slice %arg6[%dma_wait3A_691, %dma_wait3A_697] : memref<8x50xi32, #tpu.memory_space<vmem>> -> memref<1x50xi32, #tpu.memory_space<vmem>>
      %dma_wait3A_699 = tpu.memref_squeeze %dma_wait3A_698 : memref<1x50xi32, #tpu.memory_space<vmem>> -> memref<50xi32, #tpu.memory_space<vmem>>
      %dma_wait3A_700 = arith.constant 0 : i32
      %dma_wait3A_701 = arith.constant 0 : i32
      %dma_wait3A_702 = tpu.memref_slice %arg2[%dma_wait3A_700, %dma_wait3A_701] : memref<1000000x64xf32, #tpu.memory_space<hbm>> -> memref<1000000x64xf32, #tpu.memory_space<hbm>>
      tpu.wait_indirect_dma semaphore(%arg18 : memref<!tpu.dma_semaphore, #tpu.memory_space<semaphore_mem>>) src(%dma_wait3A_702 : memref<1000000x64xf32, #tpu.memory_space<hbm>>) dst(%dma_wait3A_696 : memref<50x64xf32, #tpu.memory_space<vmem>>)
      %mul3A_703 = arith.constant 8 : i32
      %mul3A_704 = arith.muli %add3A_606, %mul3A_703 : i32
      %add3A_705 = arith.addi %mul3A_2, %mul3A_704 : i32
      %dma_start3A_706 = arith.constant 0 : i32
      %dma_start3A_707 = arith.constant 0 : i32
      %dma_start3A_708 = tpu.memref_slice %arg4[%add3A_705, %dma_start3A_706, %dma_start3A_707] : memref<16384x50x64xf32, #tpu.memory_space<hbm>> -> memref<8x50x64xf32, #tpu.memory_space<hbm>>
      %dma_start3A_709 = arith.constant 0 : i32
      %dma_start3A_710 = arith.constant 0 : i32
      %dma_start3A_711 = tpu.memref_slice %arg4[%add3A_705, %dma_start3A_709, %dma_start3A_710] : memref<16384x50x64xf32, #tpu.memory_space<hbm>> -> memref<8x50x64xf32, #tpu.memory_space<hbm>>
      tpu.enqueue_dma source(%arg10 : memref<8x50x64xf32, #tpu.memory_space<vmem>>) target(%dma_start3A_711 : memref<8x50x64xf32, #tpu.memory_space<hbm>>) target_semaphore(%arg22 : memref<!tpu.dma_semaphore, #tpu.memory_space<semaphore_mem>>)
      %add3A_712 = arith.constant 4 : i32
      %add3A_713 = arith.addi %add3A_606, %add3A_712 : i32
      %lt3A_714 = arith.constant 64 : i32
      %lt3A_715 = arith.cmpi slt, %add3A_713, %lt3A_714 : i32
      %convert_element_type3A_716 = arith.extui %lt3A_715 : i1 to i32
      %cond3A_717 = arith.constant 0 : i32
      %cond3A_718 = arith.cmpi ne, %convert_element_type3A_716, %cond3A_717 : i32
      scf.if %cond3A_718 {
        %add3A_948 = arith.constant 4 : i32
        %add3A_949 = arith.addi %add3A_606, %add3A_948 : i32
        %mul3A_950 = arith.constant 8 : i32
        %mul3A_951 = arith.muli %add3A_949, %mul3A_950 : i32
        %add3A_952 = arith.addi %mul3A_2, %mul3A_951 : i32
        %dma_start3A_953 = arith.constant 0 : i32
        %dma_start3A_954 = tpu.memref_slice %arg3[%add3A_952, %dma_start3A_953] : memref<16384x50xi32, #tpu.memory_space<hbm>> -> memref<8x50xi32, #tpu.memory_space<hbm>>
        %dma_start3A_955 = arith.constant 0 : i32
        %dma_start3A_956 = tpu.memref_slice %arg3[%add3A_952, %dma_start3A_955] : memref<16384x50xi32, #tpu.memory_space<hbm>> -> memref<8x50xi32, #tpu.memory_space<hbm>>
        tpu.enqueue_dma source(%dma_start3A_956 : memref<8x50xi32, #tpu.memory_space<hbm>>) target(%arg6 : memref<8x50xi32, #tpu.memory_space<vmem>>) target_semaphore(%arg14 : memref<!tpu.dma_semaphore, #tpu.memory_space<semaphore_mem>>)
      } else {
      }
      %add3A_719 = arith.constant 2 : i32
      %add3A_720 = arith.addi %mul3A_66, %add3A_719 : i32
      %dma_wait3A_721 = arith.constant 0 : i32
      %dma_wait3A_722 = arith.constant 0 : i32
      %dma_wait3A_723 = arith.constant 0 : i32
      %dma_wait3A_724 = arith.constant 0 : i32
      %dma_wait3A_725 = tpu.memref_slice %arg11[%dma_wait3A_722, %dma_wait3A_723, %dma_wait3A_724] : memref<8x50x64xf32, #tpu.memory_space<vmem>> -> memref<1x50x64xf32, #tpu.memory_space<vmem>>
      %dma_wait3A_726 = tpu.memref_squeeze %dma_wait3A_725 : memref<1x50x64xf32, #tpu.memory_space<vmem>> -> memref<50x64xf32, #tpu.memory_space<vmem>>
      %dma_wait3A_727 = arith.constant 0 : i32
      %dma_wait3A_728 = tpu.memref_slice %arg7[%dma_wait3A_721, %dma_wait3A_727] : memref<8x50xi32, #tpu.memory_space<vmem>> -> memref<1x50xi32, #tpu.memory_space<vmem>>
      %dma_wait3A_729 = tpu.memref_squeeze %dma_wait3A_728 : memref<1x50xi32, #tpu.memory_space<vmem>> -> memref<50xi32, #tpu.memory_space<vmem>>
      %dma_wait3A_730 = arith.constant 0 : i32
      %dma_wait3A_731 = arith.constant 0 : i32
      %dma_wait3A_732 = tpu.memref_slice %arg2[%dma_wait3A_730, %dma_wait3A_731] : memref<1000000x64xf32, #tpu.memory_space<hbm>> -> memref<1000000x64xf32, #tpu.memory_space<hbm>>
      tpu.wait_indirect_dma semaphore(%arg19 : memref<!tpu.dma_semaphore, #tpu.memory_space<semaphore_mem>>) src(%dma_wait3A_732 : memref<1000000x64xf32, #tpu.memory_space<hbm>>) dst(%dma_wait3A_726 : memref<50x64xf32, #tpu.memory_space<vmem>>)
      %dma_wait3A_733 = arith.constant 0 : i32
      %dma_wait3A_734 = arith.constant 1 : i32
      %dma_wait3A_735 = arith.constant 0 : i32
      %dma_wait3A_736 = arith.constant 0 : i32
      %dma_wait3A_737 = tpu.memref_slice %arg11[%dma_wait3A_734, %dma_wait3A_735, %dma_wait3A_736] : memref<8x50x64xf32, #tpu.memory_space<vmem>> -> memref<1x50x64xf32, #tpu.memory_space<vmem>>
      %dma_wait3A_738 = tpu.memref_squeeze %dma_wait3A_737 : memref<1x50x64xf32, #tpu.memory_space<vmem>> -> memref<50x64xf32, #tpu.memory_space<vmem>>
      %dma_wait3A_739 = arith.constant 0 : i32
      %dma_wait3A_740 = tpu.memref_slice %arg7[%dma_wait3A_733, %dma_wait3A_739] : memref<8x50xi32, #tpu.memory_space<vmem>> -> memref<1x50xi32, #tpu.memory_space<vmem>>
      %dma_wait3A_741 = tpu.memref_squeeze %dma_wait3A_740 : memref<1x50xi32, #tpu.memory_space<vmem>> -> memref<50xi32, #tpu.memory_space<vmem>>
      %dma_wait3A_742 = arith.constant 0 : i32
      %dma_wait3A_743 = arith.constant 0 : i32
      %dma_wait3A_744 = tpu.memref_slice %arg2[%dma_wait3A_742, %dma_wait3A_743] : memref<1000000x64xf32, #tpu.memory_space<hbm>> -> memref<1000000x64xf32, #tpu.memory_space<hbm>>
      tpu.wait_indirect_dma semaphore(%arg19 : memref<!tpu.dma_semaphore, #tpu.memory_space<semaphore_mem>>) src(%dma_wait3A_744 : memref<1000000x64xf32, #tpu.memory_space<hbm>>) dst(%dma_wait3A_738 : memref<50x64xf32, #tpu.memory_space<vmem>>)
      %dma_wait3A_745 = arith.constant 0 : i32
      %dma_wait3A_746 = arith.constant 2 : i32
      %dma_wait3A_747 = arith.constant 0 : i32
      %dma_wait3A_748 = arith.constant 0 : i32
      %dma_wait3A_749 = tpu.memref_slice %arg11[%dma_wait3A_746, %dma_wait3A_747, %dma_wait3A_748] : memref<8x50x64xf32, #tpu.memory_space<vmem>> -> memref<1x50x64xf32, #tpu.memory_space<vmem>>
      %dma_wait3A_750 = tpu.memref_squeeze %dma_wait3A_749 : memref<1x50x64xf32, #tpu.memory_space<vmem>> -> memref<50x64xf32, #tpu.memory_space<vmem>>
      %dma_wait3A_751 = arith.constant 0 : i32
      %dma_wait3A_752 = tpu.memref_slice %arg7[%dma_wait3A_745, %dma_wait3A_751] : memref<8x50xi32, #tpu.memory_space<vmem>> -> memref<1x50xi32, #tpu.memory_space<vmem>>
      %dma_wait3A_753 = tpu.memref_squeeze %dma_wait3A_752 : memref<1x50xi32, #tpu.memory_space<vmem>> -> memref<50xi32, #tpu.memory_space<vmem>>
      %dma_wait3A_754 = arith.constant 0 : i32
      %dma_wait3A_755 = arith.constant 0 : i32
      %dma_wait3A_756 = tpu.memref_slice %arg2[%dma_wait3A_754, %dma_wait3A_755] : memref<1000000x64xf32, #tpu.memory_space<hbm>> -> memref<1000000x64xf32, #tpu.memory_space<hbm>>
      tpu.wait_indirect_dma semaphore(%arg19 : memref<!tpu.dma_semaphore, #tpu.memory_space<semaphore_mem>>) src(%dma_wait3A_756 : memref<1000000x64xf32, #tpu.memory_space<hbm>>) dst(%dma_wait3A_750 : memref<50x64xf32, #tpu.memory_space<vmem>>)
      %dma_wait3A_757 = arith.constant 0 : i32
      %dma_wait3A_758 = arith.constant 3 : i32
      %dma_wait3A_759 = arith.constant 0 : i32
      %dma_wait3A_760 = arith.constant 0 : i32
      %dma_wait3A_761 = tpu.memref_slice %arg11[%dma_wait3A_758, %dma_wait3A_759, %dma_wait3A_760] : memref<8x50x64xf32, #tpu.memory_space<vmem>> -> memref<1x50x64xf32, #tpu.memory_space<vmem>>
      %dma_wait3A_762 = tpu.memref_squeeze %dma_wait3A_761 : memref<1x50x64xf32, #tpu.memory_space<vmem>> -> memref<50x64xf32, #tpu.memory_space<vmem>>
      %dma_wait3A_763 = arith.constant 0 : i32
      %dma_wait3A_764 = tpu.memref_slice %arg7[%dma_wait3A_757, %dma_wait3A_763] : memref<8x50xi32, #tpu.memory_space<vmem>> -> memref<1x50xi32, #tpu.memory_space<vmem>>
      %dma_wait3A_765 = tpu.memref_squeeze %dma_wait3A_764 : memref<1x50xi32, #tpu.memory_space<vmem>> -> memref<50xi32, #tpu.memory_space<vmem>>
      %dma_wait3A_766 = arith.constant 0 : i32
      %dma_wait3A_767 = arith.constant 0 : i32
      %dma_wait3A_768 = tpu.memref_slice %arg2[%dma_wait3A_766, %dma_wait3A_767] : memref<1000000x64xf32, #tpu.memory_space<hbm>> -> memref<1000000x64xf32, #tpu.memory_space<hbm>>
      tpu.wait_indirect_dma semaphore(%arg19 : memref<!tpu.dma_semaphore, #tpu.memory_space<semaphore_mem>>) src(%dma_wait3A_768 : memref<1000000x64xf32, #tpu.memory_space<hbm>>) dst(%dma_wait3A_762 : memref<50x64xf32, #tpu.memory_space<vmem>>)
      %dma_wait3A_769 = arith.constant 0 : i32
      %dma_wait3A_770 = arith.constant 4 : i32
      %dma_wait3A_771 = arith.constant 0 : i32
      %dma_wait3A_772 = arith.constant 0 : i32
      %dma_wait3A_773 = tpu.memref_slice %arg11[%dma_wait3A_770, %dma_wait3A_771, %dma_wait3A_772] : memref<8x50x64xf32, #tpu.memory_space<vmem>> -> memref<1x50x64xf32, #tpu.memory_space<vmem>>
      %dma_wait3A_774 = tpu.memref_squeeze %dma_wait3A_773 : memref<1x50x64xf32, #tpu.memory_space<vmem>> -> memref<50x64xf32, #tpu.memory_space<vmem>>
      %dma_wait3A_775 = arith.constant 0 : i32
      %dma_wait3A_776 = tpu.memref_slice %arg7[%dma_wait3A_769, %dma_wait3A_775] : memref<8x50xi32, #tpu.memory_space<vmem>> -> memref<1x50xi32, #tpu.memory_space<vmem>>
      %dma_wait3A_777 = tpu.memref_squeeze %dma_wait3A_776 : memref<1x50xi32, #tpu.memory_space<vmem>> -> memref<50xi32, #tpu.memory_space<vmem>>
      %dma_wait3A_778 = arith.constant 0 : i32
      %dma_wait3A_779 = arith.constant 0 : i32
      %dma_wait3A_780 = tpu.memref_slice %arg2[%dma_wait3A_778, %dma_wait3A_779] : memref<1000000x64xf32, #tpu.memory_space<hbm>> -> memref<1000000x64xf32, #tpu.memory_space<hbm>>
      tpu.wait_indirect_dma semaphore(%arg19 : memref<!tpu.dma_semaphore, #tpu.memory_space<semaphore_mem>>) src(%dma_wait3A_780 : memref<1000000x64xf32, #tpu.memory_space<hbm>>) dst(%dma_wait3A_774 : memref<50x64xf32, #tpu.memory_space<vmem>>)
      %dma_wait3A_781 = arith.constant 0 : i32
      %dma_wait3A_782 = arith.constant 5 : i32
      %dma_wait3A_783 = arith.constant 0 : i32
      %dma_wait3A_784 = arith.constant 0 : i32
      %dma_wait3A_785 = tpu.memref_slice %arg11[%dma_wait3A_782, %dma_wait3A_783, %dma_wait3A_784] : memref<8x50x64xf32, #tpu.memory_space<vmem>> -> memref<1x50x64xf32, #tpu.memory_space<vmem>>
      %dma_wait3A_786 = tpu.memref_squeeze %dma_wait3A_785 : memref<1x50x64xf32, #tpu.memory_space<vmem>> -> memref<50x64xf32, #tpu.memory_space<vmem>>
      %dma_wait3A_787 = arith.constant 0 : i32
      %dma_wait3A_788 = tpu.memref_slice %arg7[%dma_wait3A_781, %dma_wait3A_787] : memref<8x50xi32, #tpu.memory_space<vmem>> -> memref<1x50xi32, #tpu.memory_space<vmem>>
      %dma_wait3A_789 = tpu.memref_squeeze %dma_wait3A_788 : memref<1x50xi32, #tpu.memory_space<vmem>> -> memref<50xi32, #tpu.memory_space<vmem>>
      %dma_wait3A_790 = arith.constant 0 : i32
      %dma_wait3A_791 = arith.constant 0 : i32
      %dma_wait3A_792 = tpu.memref_slice %arg2[%dma_wait3A_790, %dma_wait3A_791] : memref<1000000x64xf32, #tpu.memory_space<hbm>> -> memref<1000000x64xf32, #tpu.memory_space<hbm>>
      tpu.wait_indirect_dma semaphore(%arg19 : memref<!tpu.dma_semaphore, #tpu.memory_space<semaphore_mem>>) src(%dma_wait3A_792 : memref<1000000x64xf32, #tpu.memory_space<hbm>>) dst(%dma_wait3A_786 : memref<50x64xf32, #tpu.memory_space<vmem>>)
      %dma_wait3A_793 = arith.constant 0 : i32
      %dma_wait3A_794 = arith.constant 6 : i32
      %dma_wait3A_795 = arith.constant 0 : i32
      %dma_wait3A_796 = arith.constant 0 : i32
      %dma_wait3A_797 = tpu.memref_slice %arg11[%dma_wait3A_794, %dma_wait3A_795, %dma_wait3A_796] : memref<8x50x64xf32, #tpu.memory_space<vmem>> -> memref<1x50x64xf32, #tpu.memory_space<vmem>>
      %dma_wait3A_798 = tpu.memref_squeeze %dma_wait3A_797 : memref<1x50x64xf32, #tpu.memory_space<vmem>> -> memref<50x64xf32, #tpu.memory_space<vmem>>
      %dma_wait3A_799 = arith.constant 0 : i32
      %dma_wait3A_800 = tpu.memref_slice %arg7[%dma_wait3A_793, %dma_wait3A_799] : memref<8x50xi32, #tpu.memory_space<vmem>> -> memref<1x50xi32, #tpu.memory_space<vmem>>
      %dma_wait3A_801 = tpu.memref_squeeze %dma_wait3A_800 : memref<1x50xi32, #tpu.memory_space<vmem>> -> memref<50xi32, #tpu.memory_space<vmem>>
      %dma_wait3A_802 = arith.constant 0 : i32
      %dma_wait3A_803 = arith.constant 0 : i32
      %dma_wait3A_804 = tpu.memref_slice %arg2[%dma_wait3A_802, %dma_wait3A_803] : memref<1000000x64xf32, #tpu.memory_space<hbm>> -> memref<1000000x64xf32, #tpu.memory_space<hbm>>
      tpu.wait_indirect_dma semaphore(%arg19 : memref<!tpu.dma_semaphore, #tpu.memory_space<semaphore_mem>>) src(%dma_wait3A_804 : memref<1000000x64xf32, #tpu.memory_space<hbm>>) dst(%dma_wait3A_798 : memref<50x64xf32, #tpu.memory_space<vmem>>)
      %dma_wait3A_805 = arith.constant 0 : i32
      %dma_wait3A_806 = arith.constant 7 : i32
      %dma_wait3A_807 = arith.constant 0 : i32
      %dma_wait3A_808 = arith.constant 0 : i32
      %dma_wait3A_809 = tpu.memref_slice %arg11[%dma_wait3A_806, %dma_wait3A_807, %dma_wait3A_808] : memref<8x50x64xf32, #tpu.memory_space<vmem>> -> memref<1x50x64xf32, #tpu.memory_space<vmem>>
      %dma_wait3A_810 = tpu.memref_squeeze %dma_wait3A_809 : memref<1x50x64xf32, #tpu.memory_space<vmem>> -> memref<50x64xf32, #tpu.memory_space<vmem>>
      %dma_wait3A_811 = arith.constant 0 : i32
      %dma_wait3A_812 = tpu.memref_slice %arg7[%dma_wait3A_805, %dma_wait3A_811] : memref<8x50xi32, #tpu.memory_space<vmem>> -> memref<1x50xi32, #tpu.memory_space<vmem>>
      %dma_wait3A_813 = tpu.memref_squeeze %dma_wait3A_812 : memref<1x50xi32, #tpu.memory_space<vmem>> -> memref<50xi32, #tpu.memory_space<vmem>>
      %dma_wait3A_814 = arith.constant 0 : i32
      %dma_wait3A_815 = arith.constant 0 : i32
      %dma_wait3A_816 = tpu.memref_slice %arg2[%dma_wait3A_814, %dma_wait3A_815] : memref<1000000x64xf32, #tpu.memory_space<hbm>> -> memref<1000000x64xf32, #tpu.memory_space<hbm>>
      tpu.wait_indirect_dma semaphore(%arg19 : memref<!tpu.dma_semaphore, #tpu.memory_space<semaphore_mem>>) src(%dma_wait3A_816 : memref<1000000x64xf32, #tpu.memory_space<hbm>>) dst(%dma_wait3A_810 : memref<50x64xf32, #tpu.memory_space<vmem>>)
      %mul3A_817 = arith.constant 8 : i32
      %mul3A_818 = arith.muli %add3A_720, %mul3A_817 : i32
      %add3A_819 = arith.addi %mul3A_2, %mul3A_818 : i32
      %dma_start3A_820 = arith.constant 0 : i32
      %dma_start3A_821 = arith.constant 0 : i32
      %dma_start3A_822 = tpu.memref_slice %arg4[%add3A_819, %dma_start3A_820, %dma_start3A_821] : memref<16384x50x64xf32, #tpu.memory_space<hbm>> -> memref<8x50x64xf32, #tpu.memory_space<hbm>>
      %dma_start3A_823 = arith.constant 0 : i32
      %dma_start3A_824 = arith.constant 0 : i32
      %dma_start3A_825 = tpu.memref_slice %arg4[%add3A_819, %dma_start3A_823, %dma_start3A_824] : memref<16384x50x64xf32, #tpu.memory_space<hbm>> -> memref<8x50x64xf32, #tpu.memory_space<hbm>>
      tpu.enqueue_dma source(%arg11 : memref<8x50x64xf32, #tpu.memory_space<vmem>>) target(%dma_start3A_825 : memref<8x50x64xf32, #tpu.memory_space<hbm>>) target_semaphore(%arg23 : memref<!tpu.dma_semaphore, #tpu.memory_space<semaphore_mem>>)
      %add3A_826 = arith.constant 4 : i32
      %add3A_827 = arith.addi %add3A_720, %add3A_826 : i32
      %lt3A_828 = arith.constant 64 : i32
      %lt3A_829 = arith.cmpi slt, %add3A_827, %lt3A_828 : i32
      %convert_element_type3A_830 = arith.extui %lt3A_829 : i1 to i32
      %cond3A_831 = arith.constant 0 : i32
      %cond3A_832 = arith.cmpi ne, %convert_element_type3A_830, %cond3A_831 : i32
      scf.if %cond3A_832 {
        %add3A_948 = arith.constant 4 : i32
        %add3A_949 = arith.addi %add3A_720, %add3A_948 : i32
        %mul3A_950 = arith.constant 8 : i32
        %mul3A_951 = arith.muli %add3A_949, %mul3A_950 : i32
        %add3A_952 = arith.addi %mul3A_2, %mul3A_951 : i32
        %dma_start3A_953 = arith.constant 0 : i32
        %dma_start3A_954 = tpu.memref_slice %arg3[%add3A_952, %dma_start3A_953] : memref<16384x50xi32, #tpu.memory_space<hbm>> -> memref<8x50xi32, #tpu.memory_space<hbm>>
        %dma_start3A_955 = arith.constant 0 : i32
        %dma_start3A_956 = tpu.memref_slice %arg3[%add3A_952, %dma_start3A_955] : memref<16384x50xi32, #tpu.memory_space<hbm>> -> memref<8x50xi32, #tpu.memory_space<hbm>>
        tpu.enqueue_dma source(%dma_start3A_956 : memref<8x50xi32, #tpu.memory_space<hbm>>) target(%arg7 : memref<8x50xi32, #tpu.memory_space<vmem>>) target_semaphore(%arg15 : memref<!tpu.dma_semaphore, #tpu.memory_space<semaphore_mem>>)
      } else {
      }
      %add3A_833 = arith.constant 3 : i32
      %add3A_834 = arith.addi %mul3A_66, %add3A_833 : i32
      %dma_wait3A_835 = arith.constant 0 : i32
      %dma_wait3A_836 = arith.constant 0 : i32
      %dma_wait3A_837 = arith.constant 0 : i32
      %dma_wait3A_838 = arith.constant 0 : i32
      %dma_wait3A_839 = tpu.memref_slice %arg12[%dma_wait3A_836, %dma_wait3A_837, %dma_wait3A_838] : memref<8x50x64xf32, #tpu.memory_space<vmem>> -> memref<1x50x64xf32, #tpu.memory_space<vmem>>
      %dma_wait3A_840 = tpu.memref_squeeze %dma_wait3A_839 : memref<1x50x64xf32, #tpu.memory_space<vmem>> -> memref<50x64xf32, #tpu.memory_space<vmem>>
      %dma_wait3A_841 = arith.constant 0 : i32
      %dma_wait3A_842 = tpu.memref_slice %arg8[%dma_wait3A_835, %dma_wait3A_841] : memref<8x50xi32, #tpu.memory_space<vmem>> -> memref<1x50xi32, #tpu.memory_space<vmem>>
      %dma_wait3A_843 = tpu.memref_squeeze %dma_wait3A_842 : memref<1x50xi32, #tpu.memory_space<vmem>> -> memref<50xi32, #tpu.memory_space<vmem>>
      %dma_wait3A_844 = arith.constant 0 : i32
      %dma_wait3A_845 = arith.constant 0 : i32
      %dma_wait3A_846 = tpu.memref_slice %arg2[%dma_wait3A_844, %dma_wait3A_845] : memref<1000000x64xf32, #tpu.memory_space<hbm>> -> memref<1000000x64xf32, #tpu.memory_space<hbm>>
      tpu.wait_indirect_dma semaphore(%arg20 : memref<!tpu.dma_semaphore, #tpu.memory_space<semaphore_mem>>) src(%dma_wait3A_846 : memref<1000000x64xf32, #tpu.memory_space<hbm>>) dst(%dma_wait3A_840 : memref<50x64xf32, #tpu.memory_space<vmem>>)
      %dma_wait3A_847 = arith.constant 0 : i32
      %dma_wait3A_848 = arith.constant 1 : i32
      %dma_wait3A_849 = arith.constant 0 : i32
      %dma_wait3A_850 = arith.constant 0 : i32
      %dma_wait3A_851 = tpu.memref_slice %arg12[%dma_wait3A_848, %dma_wait3A_849, %dma_wait3A_850] : memref<8x50x64xf32, #tpu.memory_space<vmem>> -> memref<1x50x64xf32, #tpu.memory_space<vmem>>
      %dma_wait3A_852 = tpu.memref_squeeze %dma_wait3A_851 : memref<1x50x64xf32, #tpu.memory_space<vmem>> -> memref<50x64xf32, #tpu.memory_space<vmem>>
      %dma_wait3A_853 = arith.constant 0 : i32
      %dma_wait3A_854 = tpu.memref_slice %arg8[%dma_wait3A_847, %dma_wait3A_853] : memref<8x50xi32, #tpu.memory_space<vmem>> -> memref<1x50xi32, #tpu.memory_space<vmem>>
      %dma_wait3A_855 = tpu.memref_squeeze %dma_wait3A_854 : memref<1x50xi32, #tpu.memory_space<vmem>> -> memref<50xi32, #tpu.memory_space<vmem>>
      %dma_wait3A_856 = arith.constant 0 : i32
      %dma_wait3A_857 = arith.constant 0 : i32
      %dma_wait3A_858 = tpu.memref_slice %arg2[%dma_wait3A_856, %dma_wait3A_857] : memref<1000000x64xf32, #tpu.memory_space<hbm>> -> memref<1000000x64xf32, #tpu.memory_space<hbm>>
      tpu.wait_indirect_dma semaphore(%arg20 : memref<!tpu.dma_semaphore, #tpu.memory_space<semaphore_mem>>) src(%dma_wait3A_858 : memref<1000000x64xf32, #tpu.memory_space<hbm>>) dst(%dma_wait3A_852 : memref<50x64xf32, #tpu.memory_space<vmem>>)
      %dma_wait3A_859 = arith.constant 0 : i32
      %dma_wait3A_860 = arith.constant 2 : i32
      %dma_wait3A_861 = arith.constant 0 : i32
      %dma_wait3A_862 = arith.constant 0 : i32
      %dma_wait3A_863 = tpu.memref_slice %arg12[%dma_wait3A_860, %dma_wait3A_861, %dma_wait3A_862] : memref<8x50x64xf32, #tpu.memory_space<vmem>> -> memref<1x50x64xf32, #tpu.memory_space<vmem>>
      %dma_wait3A_864 = tpu.memref_squeeze %dma_wait3A_863 : memref<1x50x64xf32, #tpu.memory_space<vmem>> -> memref<50x64xf32, #tpu.memory_space<vmem>>
      %dma_wait3A_865 = arith.constant 0 : i32
      %dma_wait3A_866 = tpu.memref_slice %arg8[%dma_wait3A_859, %dma_wait3A_865] : memref<8x50xi32, #tpu.memory_space<vmem>> -> memref<1x50xi32, #tpu.memory_space<vmem>>
      %dma_wait3A_867 = tpu.memref_squeeze %dma_wait3A_866 : memref<1x50xi32, #tpu.memory_space<vmem>> -> memref<50xi32, #tpu.memory_space<vmem>>
      %dma_wait3A_868 = arith.constant 0 : i32
      %dma_wait3A_869 = arith.constant 0 : i32
      %dma_wait3A_870 = tpu.memref_slice %arg2[%dma_wait3A_868, %dma_wait3A_869] : memref<1000000x64xf32, #tpu.memory_space<hbm>> -> memref<1000000x64xf32, #tpu.memory_space<hbm>>
      tpu.wait_indirect_dma semaphore(%arg20 : memref<!tpu.dma_semaphore, #tpu.memory_space<semaphore_mem>>) src(%dma_wait3A_870 : memref<1000000x64xf32, #tpu.memory_space<hbm>>) dst(%dma_wait3A_864 : memref<50x64xf32, #tpu.memory_space<vmem>>)
      %dma_wait3A_871 = arith.constant 0 : i32
      %dma_wait3A_872 = arith.constant 3 : i32
      %dma_wait3A_873 = arith.constant 0 : i32
      %dma_wait3A_874 = arith.constant 0 : i32
      %dma_wait3A_875 = tpu.memref_slice %arg12[%dma_wait3A_872, %dma_wait3A_873, %dma_wait3A_874] : memref<8x50x64xf32, #tpu.memory_space<vmem>> -> memref<1x50x64xf32, #tpu.memory_space<vmem>>
      %dma_wait3A_876 = tpu.memref_squeeze %dma_wait3A_875 : memref<1x50x64xf32, #tpu.memory_space<vmem>> -> memref<50x64xf32, #tpu.memory_space<vmem>>
      %dma_wait3A_877 = arith.constant 0 : i32
      %dma_wait3A_878 = tpu.memref_slice %arg8[%dma_wait3A_871, %dma_wait3A_877] : memref<8x50xi32, #tpu.memory_space<vmem>> -> memref<1x50xi32, #tpu.memory_space<vmem>>
      %dma_wait3A_879 = tpu.memref_squeeze %dma_wait3A_878 : memref<1x50xi32, #tpu.memory_space<vmem>> -> memref<50xi32, #tpu.memory_space<vmem>>
      %dma_wait3A_880 = arith.constant 0 : i32
      %dma_wait3A_881 = arith.constant 0 : i32
      %dma_wait3A_882 = tpu.memref_slice %arg2[%dma_wait3A_880, %dma_wait3A_881] : memref<1000000x64xf32, #tpu.memory_space<hbm>> -> memref<1000000x64xf32, #tpu.memory_space<hbm>>
      tpu.wait_indirect_dma semaphore(%arg20 : memref<!tpu.dma_semaphore, #tpu.memory_space<semaphore_mem>>) src(%dma_wait3A_882 : memref<1000000x64xf32, #tpu.memory_space<hbm>>) dst(%dma_wait3A_876 : memref<50x64xf32, #tpu.memory_space<vmem>>)
      %dma_wait3A_883 = arith.constant 0 : i32
      %dma_wait3A_884 = arith.constant 4 : i32
      %dma_wait3A_885 = arith.constant 0 : i32
      %dma_wait3A_886 = arith.constant 0 : i32
      %dma_wait3A_887 = tpu.memref_slice %arg12[%dma_wait3A_884, %dma_wait3A_885, %dma_wait3A_886] : memref<8x50x64xf32, #tpu.memory_space<vmem>> -> memref<1x50x64xf32, #tpu.memory_space<vmem>>
      %dma_wait3A_888 = tpu.memref_squeeze %dma_wait3A_887 : memref<1x50x64xf32, #tpu.memory_space<vmem>> -> memref<50x64xf32, #tpu.memory_space<vmem>>
      %dma_wait3A_889 = arith.constant 0 : i32
      %dma_wait3A_890 = tpu.memref_slice %arg8[%dma_wait3A_883, %dma_wait3A_889] : memref<8x50xi32, #tpu.memory_space<vmem>> -> memref<1x50xi32, #tpu.memory_space<vmem>>
      %dma_wait3A_891 = tpu.memref_squeeze %dma_wait3A_890 : memref<1x50xi32, #tpu.memory_space<vmem>> -> memref<50xi32, #tpu.memory_space<vmem>>
      %dma_wait3A_892 = arith.constant 0 : i32
      %dma_wait3A_893 = arith.constant 0 : i32
      %dma_wait3A_894 = tpu.memref_slice %arg2[%dma_wait3A_892, %dma_wait3A_893] : memref<1000000x64xf32, #tpu.memory_space<hbm>> -> memref<1000000x64xf32, #tpu.memory_space<hbm>>
      tpu.wait_indirect_dma semaphore(%arg20 : memref<!tpu.dma_semaphore, #tpu.memory_space<semaphore_mem>>) src(%dma_wait3A_894 : memref<1000000x64xf32, #tpu.memory_space<hbm>>) dst(%dma_wait3A_888 : memref<50x64xf32, #tpu.memory_space<vmem>>)
      %dma_wait3A_895 = arith.constant 0 : i32
      %dma_wait3A_896 = arith.constant 5 : i32
      %dma_wait3A_897 = arith.constant 0 : i32
      %dma_wait3A_898 = arith.constant 0 : i32
      %dma_wait3A_899 = tpu.memref_slice %arg12[%dma_wait3A_896, %dma_wait3A_897, %dma_wait3A_898] : memref<8x50x64xf32, #tpu.memory_space<vmem>> -> memref<1x50x64xf32, #tpu.memory_space<vmem>>
      %dma_wait3A_900 = tpu.memref_squeeze %dma_wait3A_899 : memref<1x50x64xf32, #tpu.memory_space<vmem>> -> memref<50x64xf32, #tpu.memory_space<vmem>>
      %dma_wait3A_901 = arith.constant 0 : i32
      %dma_wait3A_902 = tpu.memref_slice %arg8[%dma_wait3A_895, %dma_wait3A_901] : memref<8x50xi32, #tpu.memory_space<vmem>> -> memref<1x50xi32, #tpu.memory_space<vmem>>
      %dma_wait3A_903 = tpu.memref_squeeze %dma_wait3A_902 : memref<1x50xi32, #tpu.memory_space<vmem>> -> memref<50xi32, #tpu.memory_space<vmem>>
      %dma_wait3A_904 = arith.constant 0 : i32
      %dma_wait3A_905 = arith.constant 0 : i32
      %dma_wait3A_906 = tpu.memref_slice %arg2[%dma_wait3A_904, %dma_wait3A_905] : memref<1000000x64xf32, #tpu.memory_space<hbm>> -> memref<1000000x64xf32, #tpu.memory_space<hbm>>
      tpu.wait_indirect_dma semaphore(%arg20 : memref<!tpu.dma_semaphore, #tpu.memory_space<semaphore_mem>>) src(%dma_wait3A_906 : memref<1000000x64xf32, #tpu.memory_space<hbm>>) dst(%dma_wait3A_900 : memref<50x64xf32, #tpu.memory_space<vmem>>)
      %dma_wait3A_907 = arith.constant 0 : i32
      %dma_wait3A_908 = arith.constant 6 : i32
      %dma_wait3A_909 = arith.constant 0 : i32
      %dma_wait3A_910 = arith.constant 0 : i32
      %dma_wait3A_911 = tpu.memref_slice %arg12[%dma_wait3A_908, %dma_wait3A_909, %dma_wait3A_910] : memref<8x50x64xf32, #tpu.memory_space<vmem>> -> memref<1x50x64xf32, #tpu.memory_space<vmem>>
      %dma_wait3A_912 = tpu.memref_squeeze %dma_wait3A_911 : memref<1x50x64xf32, #tpu.memory_space<vmem>> -> memref<50x64xf32, #tpu.memory_space<vmem>>
      %dma_wait3A_913 = arith.constant 0 : i32
      %dma_wait3A_914 = tpu.memref_slice %arg8[%dma_wait3A_907, %dma_wait3A_913] : memref<8x50xi32, #tpu.memory_space<vmem>> -> memref<1x50xi32, #tpu.memory_space<vmem>>
      %dma_wait3A_915 = tpu.memref_squeeze %dma_wait3A_914 : memref<1x50xi32, #tpu.memory_space<vmem>> -> memref<50xi32, #tpu.memory_space<vmem>>
      %dma_wait3A_916 = arith.constant 0 : i32
      %dma_wait3A_917 = arith.constant 0 : i32
      %dma_wait3A_918 = tpu.memref_slice %arg2[%dma_wait3A_916, %dma_wait3A_917] : memref<1000000x64xf32, #tpu.memory_space<hbm>> -> memref<1000000x64xf32, #tpu.memory_space<hbm>>
      tpu.wait_indirect_dma semaphore(%arg20 : memref<!tpu.dma_semaphore, #tpu.memory_space<semaphore_mem>>) src(%dma_wait3A_918 : memref<1000000x64xf32, #tpu.memory_space<hbm>>) dst(%dma_wait3A_912 : memref<50x64xf32, #tpu.memory_space<vmem>>)
      %dma_wait3A_919 = arith.constant 0 : i32
      %dma_wait3A_920 = arith.constant 7 : i32
      %dma_wait3A_921 = arith.constant 0 : i32
      %dma_wait3A_922 = arith.constant 0 : i32
      %dma_wait3A_923 = tpu.memref_slice %arg12[%dma_wait3A_920, %dma_wait3A_921, %dma_wait3A_922] : memref<8x50x64xf32, #tpu.memory_space<vmem>> -> memref<1x50x64xf32, #tpu.memory_space<vmem>>
      %dma_wait3A_924 = tpu.memref_squeeze %dma_wait3A_923 : memref<1x50x64xf32, #tpu.memory_space<vmem>> -> memref<50x64xf32, #tpu.memory_space<vmem>>
      %dma_wait3A_925 = arith.constant 0 : i32
      %dma_wait3A_926 = tpu.memref_slice %arg8[%dma_wait3A_919, %dma_wait3A_925] : memref<8x50xi32, #tpu.memory_space<vmem>> -> memref<1x50xi32, #tpu.memory_space<vmem>>
      %dma_wait3A_927 = tpu.memref_squeeze %dma_wait3A_926 : memref<1x50xi32, #tpu.memory_space<vmem>> -> memref<50xi32, #tpu.memory_space<vmem>>
      %dma_wait3A_928 = arith.constant 0 : i32
      %dma_wait3A_929 = arith.constant 0 : i32
      %dma_wait3A_930 = tpu.memref_slice %arg2[%dma_wait3A_928, %dma_wait3A_929] : memref<1000000x64xf32, #tpu.memory_space<hbm>> -> memref<1000000x64xf32, #tpu.memory_space<hbm>>
      tpu.wait_indirect_dma semaphore(%arg20 : memref<!tpu.dma_semaphore, #tpu.memory_space<semaphore_mem>>) src(%dma_wait3A_930 : memref<1000000x64xf32, #tpu.memory_space<hbm>>) dst(%dma_wait3A_924 : memref<50x64xf32, #tpu.memory_space<vmem>>)
      %mul3A_931 = arith.constant 8 : i32
      %mul3A_932 = arith.muli %add3A_834, %mul3A_931 : i32
      %add3A_933 = arith.addi %mul3A_2, %mul3A_932 : i32
      %dma_start3A_934 = arith.constant 0 : i32
      %dma_start3A_935 = arith.constant 0 : i32
      %dma_start3A_936 = tpu.memref_slice %arg4[%add3A_933, %dma_start3A_934, %dma_start3A_935] : memref<16384x50x64xf32, #tpu.memory_space<hbm>> -> memref<8x50x64xf32, #tpu.memory_space<hbm>>
      %dma_start3A_937 = arith.constant 0 : i32
      %dma_start3A_938 = arith.constant 0 : i32
      %dma_start3A_939 = tpu.memref_slice %arg4[%add3A_933, %dma_start3A_937, %dma_start3A_938] : memref<16384x50x64xf32, #tpu.memory_space<hbm>> -> memref<8x50x64xf32, #tpu.memory_space<hbm>>
      tpu.enqueue_dma source(%arg12 : memref<8x50x64xf32, #tpu.memory_space<vmem>>) target(%dma_start3A_939 : memref<8x50x64xf32, #tpu.memory_space<hbm>>) target_semaphore(%arg24 : memref<!tpu.dma_semaphore, #tpu.memory_space<semaphore_mem>>)
      %add3A_940 = arith.constant 4 : i32
      %add3A_941 = arith.addi %add3A_834, %add3A_940 : i32
      %lt3A_942 = arith.constant 64 : i32
      %lt3A_943 = arith.cmpi slt, %add3A_941, %lt3A_942 : i32
      %convert_element_type3A_944 = arith.extui %lt3A_943 : i1 to i32
      %cond3A_945 = arith.constant 0 : i32
      %cond3A_946 = arith.cmpi ne, %convert_element_type3A_944, %cond3A_945 : i32
      scf.if %cond3A_946 {
        %add3A_948 = arith.constant 4 : i32
        %add3A_949 = arith.addi %add3A_834, %add3A_948 : i32
        %mul3A_950 = arith.constant 8 : i32
        %mul3A_951 = arith.muli %add3A_949, %mul3A_950 : i32
        %add3A_952 = arith.addi %mul3A_2, %mul3A_951 : i32
        %dma_start3A_953 = arith.constant 0 : i32
        %dma_start3A_954 = tpu.memref_slice %arg3[%add3A_952, %dma_start3A_953] : memref<16384x50xi32, #tpu.memory_space<hbm>> -> memref<8x50xi32, #tpu.memory_space<hbm>>
        %dma_start3A_955 = arith.constant 0 : i32
        %dma_start3A_956 = tpu.memref_slice %arg3[%add3A_952, %dma_start3A_955] : memref<16384x50xi32, #tpu.memory_space<hbm>> -> memref<8x50xi32, #tpu.memory_space<hbm>>
        tpu.enqueue_dma source(%dma_start3A_956 : memref<8x50xi32, #tpu.memory_space<hbm>>) target(%arg8 : memref<8x50xi32, #tpu.memory_space<vmem>>) target_semaphore(%arg16 : memref<!tpu.dma_semaphore, #tpu.memory_space<semaphore_mem>>)
      } else {
      }
      %scan3A_947 = arith.constant 0 : i32
      scf.yield %scan3A_947 : i32
    }
    %scan3A_31 = arith.constant 16 : i32
    %dma_wait3A = arith.constant 0 : i32
    %dma_wait3A_32 = arith.constant 0 : i32
    %dma_wait3A_33 = arith.constant 0 : i32
    %dma_wait3A_34 = tpu.memref_slice %arg4[%dma_wait3A, %dma_wait3A_32, %dma_wait3A_33] : memref<16384x50x64xf32, #tpu.memory_space<hbm>> -> memref<8x50x64xf32, #tpu.memory_space<hbm>>
    %dma_wait3A_35 = arith.constant 0 : i32
    %dma_wait3A_36 = arith.constant 0 : i32
    %dma_wait3A_37 = arith.constant 0 : i32
    %dma_wait3A_38 = tpu.memref_slice %arg4[%dma_wait3A_35, %dma_wait3A_36, %dma_wait3A_37] : memref<16384x50x64xf32, #tpu.memory_space<hbm>> -> memref<8x50x64xf32, #tpu.memory_space<hbm>>
    tpu.wait_dma2 semaphore(%arg21 : memref<!tpu.dma_semaphore, #tpu.memory_space<semaphore_mem>>) src(%arg9 : memref<8x50x64xf32, #tpu.memory_space<vmem>>) dst(%dma_wait3A_38 : memref<8x50x64xf32, #tpu.memory_space<hbm>>)
    %dma_wait3A_39 = arith.constant 0 : i32
    %dma_wait3A_40 = arith.constant 0 : i32
    %dma_wait3A_41 = arith.constant 0 : i32
    %dma_wait3A_42 = tpu.memref_slice %arg4[%dma_wait3A_39, %dma_wait3A_40, %dma_wait3A_41] : memref<16384x50x64xf32, #tpu.memory_space<hbm>> -> memref<8x50x64xf32, #tpu.memory_space<hbm>>
    %dma_wait3A_43 = arith.constant 0 : i32
    %dma_wait3A_44 = arith.constant 0 : i32
    %dma_wait3A_45 = arith.constant 0 : i32
    %dma_wait3A_46 = tpu.memref_slice %arg4[%dma_wait3A_43, %dma_wait3A_44, %dma_wait3A_45] : memref<16384x50x64xf32, #tpu.memory_space<hbm>> -> memref<8x50x64xf32, #tpu.memory_space<hbm>>
    tpu.wait_dma2 semaphore(%arg22 : memref<!tpu.dma_semaphore, #tpu.memory_space<semaphore_mem>>) src(%arg10 : memref<8x50x64xf32, #tpu.memory_space<vmem>>) dst(%dma_wait3A_46 : memref<8x50x64xf32, #tpu.memory_space<hbm>>)
    %dma_wait3A_47 = arith.constant 0 : i32
    %dma_wait3A_48 = arith.constant 0 : i32
    %dma_wait3A_49 = arith.constant 0 : i32
    %dma_wait3A_50 = tpu.memref_slice %arg4[%dma_wait3A_47, %dma_wait3A_48, %dma_wait3A_49] : memref<16384x50x64xf32, #tpu.memory_space<hbm>> -> memref<8x50x64xf32, #tpu.memory_space<hbm>>
    %dma_wait3A_51 = arith.constant 0 : i32
    %dma_wait3A_52 = arith.constant 0 : i32
    %dma_wait3A_53 = arith.constant 0 : i32
    %dma_wait3A_54 = tpu.memref_slice %arg4[%dma_wait3A_51, %dma_wait3A_52, %dma_wait3A_53] : memref<16384x50x64xf32, #tpu.memory_space<hbm>> -> memref<8x50x64xf32, #tpu.memory_space<hbm>>
    tpu.wait_dma2 semaphore(%arg23 : memref<!tpu.dma_semaphore, #tpu.memory_space<semaphore_mem>>) src(%arg11 : memref<8x50x64xf32, #tpu.memory_space<vmem>>) dst(%dma_wait3A_54 : memref<8x50x64xf32, #tpu.memory_space<hbm>>)
    %dma_wait3A_55 = arith.constant 0 : i32
    %dma_wait3A_56 = arith.constant 0 : i32
    %dma_wait3A_57 = arith.constant 0 : i32
    %dma_wait3A_58 = tpu.memref_slice %arg4[%dma_wait3A_55, %dma_wait3A_56, %dma_wait3A_57] : memref<16384x50x64xf32, #tpu.memory_space<hbm>> -> memref<8x50x64xf32, #tpu.memory_space<hbm>>
    %dma_wait3A_59 = arith.constant 0 : i32
    %dma_wait3A_60 = arith.constant 0 : i32
    %dma_wait3A_61 = arith.constant 0 : i32
    %dma_wait3A_62 = tpu.memref_slice %arg4[%dma_wait3A_59, %dma_wait3A_60, %dma_wait3A_61] : memref<16384x50x64xf32, #tpu.memory_space<hbm>> -> memref<8x50x64xf32, #tpu.memory_space<hbm>>
    tpu.wait_dma2 semaphore(%arg24 : memref<!tpu.dma_semaphore, #tpu.memory_space<semaphore_mem>>) src(%arg12 : memref<8x50x64xf32, #tpu.memory_space<vmem>>) dst(%dma_wait3A_62 : memref<8x50x64xf32, #tpu.memory_space<hbm>>)
    return
  }
}

</mosaic_0001>

<sc_bundles>
// kernel: kernel.3.cloned.1.call-start
scs
__scs_entry_jumppad:
0x0: {  	(pc) =	sbr.rel $0x88, $3  }
0x1: {  	(tag) =	ssettag $0x0;
	lr =	simm.s32 $0x1  }
0x2: {  	[smem:$0x3F9F] =	sst lr;
	_ =	strace $0xD0000000  }
0x3: {  	_ = 	snop  }
0x4: {  	_ = 	snop  }
0x5: {  	_ = 	snop  }
0x6: {  	_ = 	snop  }
0x7: {  	_ = 	snop  }
__scs_overlays_trampoline_lowered:
0x8: {  	[smem:$0x3FAE] =	sst s0  }
0x9: {  	[smem:$0x3FAF] =	sst s1  }
0xa: {  	[smem:$0x3FB0] =	sst s2  }
0xb: {  	[smem:$0x3FB1] =	sst s3  }
0xc: {  	[smem:$0x3FB2] =	sst s4  }
0xd: {  	[smem:$0x3FB3] =	sst s5  }
0xe: {  	[smem:$0x3FB4] =	sst s6  }
0xf: {  	[smem:$0x3FB5] =	sst s7  }
0x10: {  	[smem:$0x3FB6] =	sst s8  }
0x11: {  	[smem:$0x3FB7] =	sst s9;
	s0 =	simm.s32 @!p0 $0x0  }
0x12: {  	s1 =	sld [smem:$0x3F9D];
	s0 =	simm.s32 @p0 $0x1  }
0x13: {  	[smem:$0x3FB8] =	sst s0;
	s0 =	simm.s32 @!p1 $0x0  }
0x14: {  	s2 =	sld [smem:$0x3F9C];
	s0 =	simm.s32 @p1 $0x1  }
0x15: {  	[smem:$0x3FB9] =	sst s0;
	s0 =	simm.s32 @!p2 $0x0  }
0x16: {  	s3 =	sld [smem:$0x3FDB];
	s0 =	simm.s32 @p2 $0x1  }
0x17: {  	s4 =	simm.s32 $0x1BF5;
	[smem:$0x3FBB] =	sst s0  }
0x18: {  	s0 =	sld [smem:$0x3F9E];
	_ =	swait.ge [sflag:s4], $0x0  }
0x19: {  	s7 =	sld [smem:$0x3F9F]  }
0x1a: {  	s8 =	sadd.s32 $0xFFFFE003, lr  }
0x1b: {  	s9 =	sadd.s32 $0xFFFFFEF7, lr;
	s5 =	simm.s32 $0xFFFFFFFF;
	p2 =	slt.u32 s8, $0xFFFFF086  }
0x1c: {  	p1 =	slt.u32 s9, $0xF7A;
	s5 =	simm.s32 @!p2 $0x0  }
0x1d: {  	s5 =	simm.s32 @p1 $0x1;
	p0 =	seq.s32 s7, s2  }
0x1e: {  	s7 =	smul.u32 @!p0 $0xF7A, s2;
	p2 =	seq.s32 @!p0 s5, $0x0  }
0x1f: {  	s9 =	smul.u32 $0xF7A, s1;
	s8 =	simm.s32 @!p0 $0x1BF5;
	p2 =	por !p2, p0  }
0x20: {  	[sflag:s8] =	ssyncset.s32 @!p0 $0xFFFFF086;
	s6 =	sadd.s32 @!p0 s3, s7;
	s7 =	simm.s32 @!p0 $0x108  }
0x21: {  	s3 =	sadd.s32 s3, s9;
	s6 =	sadd.s32 @!p0 $0x88, s6;
	s7 =	simm.s32 @p2 $0x1082  }
0x22: {  	[simem:s7], [sflag:s8] =	dma.local @!p0 [hbm:s6], $0xF7A  }
0x23: {  	s9 =	sor.u32 $0xD0000000, s2;
	s6 =	simm.s32 $0x108;
	_ =	swait.ge @!p0 [sflag:s8], $0x0  }
0x24: {  	s3 =	sadd.s32 $0x88, s3;
	s6 =	simm.s32 @!p1 $0x1082;
	[sflag:s4] =	ssyncset.s32 $0xFFFFF086  }
0x25: {  	[simem:s6], [sflag:s4] =	dma.local [hbm:s3], $0xF7A  }
0x26: {  	[smem:$0x3F9F] =	sst s1;
	(tag) =	ssettag s2;
	_ =	strace s9  }
0x27: {  	s1 =	sld [smem:$0x3FAF]  }
0x28: {  	s2 =	sld [smem:$0x3FB0]  }
0x29: {  	s4 =	sld [smem:$0x3FB2]  }
0x2a: {  	p0 =	seq.s32 s5, $0x0;
	s5 =	sld [smem:$0x3FB3]  }
0x2b: {  	s6 =	sld [smem:$0x3FB4]  }
0x2c: {  	s7 =	sld [smem:$0x3FB5]  }
0x2d: {  	s3 =	simm.s32 $0x108;
	s8 =	sld [smem:$0x3FB6]  }
0x2e: {  	s3 =	simm.s32 @!p0 $0x1082;
	s9 =	sld [smem:$0x3FB7]  }
0x2f: {  	lr =	sadd.s32 s0, s3;
	s0 =	sld [smem:$0x3FAE]  }
0x30: {  	s3 =	sld [smem:$0x3FB1]  }
0x31: {  	[smem:$0x3FBA] =	sst s10  }
0x32: {  	s10 =	sld [smem:$0x3FB8];
	_ =	sdelay $0x3  }
0x33: {  	p0 =	seq.s32 s10, $0x1;
	s10 =	sld [smem:$0x3FBA];
	_ =	sdelay $0x3  }
0x34: {  	[smem:$0x3FBA] =	sst s10  }
0x35: {  	s10 =	sld [smem:$0x3FB9];
	_ =	sdelay $0x3  }
0x36: {  	p1 =	seq.s32 s10, $0x1;
	s10 =	sld [smem:$0x3FBA];
	_ =	sdelay $0x3  }
0x37: {  	[smem:$0x3FBA] =	sst s10  }
0x38: {  	s10 =	sld [smem:$0x3FBB]  }
0x39: {  	_ = 	snop;
	(pc) =	sbr.ind lr, $3  }
0x3a: {  	_ = 	snop  }
0x3b: {  	_ = 	snop  }
0x3c: {  	p2 =	seq.s32 s10, $0x1;
	s10 =	sld [smem:$0x3FBA]  }
0x3d: {  	_ =	shalt  }
0x3e: {  	_ =	shalt  }
0x3f: {  	_ =	shalt  }
0x40: {  	_ =	shalt  }
0x41: {  	_ =	shalt  }
0x42: {  	_ =	shalt  }
0x43: {  	_ =	shalt  }
0x44: {  	_ =	shalt  }
0x45: {  	_ =	shalt  }
0x46: {  	_ =	shalt  }
0x47: {  	_ =	shalt  }
0x48: {  	_ =	shalt  }
0x49: {  	_ =	shalt  }
0x4a: {  	_ =	shalt  }
0x4b: {  	_ =	shalt  }
0x4c: {  	_ =	shalt  }
0x4d: {  	_ =	shalt  }
0x4e: {  	_ =	shalt  }
0x4f: {  	_ =	shalt  }
0x50: {  	_ =	shalt  }
0x51: {  	_ =	shalt  }
0x52: {  	_ =	shalt  }
0x53: {  	_ =	shalt  }
0x54: {  	_ =	shalt  }
0x55: {  	_ =	shalt  }
0x56: {  	_ =	shalt  }
0x57: {  	_ =	shalt  }
0x58: {  	_ =	shalt  }
0x59: {  	_ =	shalt  }
0x5a: {  	_ =	shalt  }
0x5b: {  	_ =	shalt  }
0x5c: {  	_ =	shalt  }
0x5d: {  	_ =	shalt  }
0x5e: {  	_ =	shalt  }
0x5f: {  	_ =	shalt  }
0x60: {  	_ =	shalt  }
0x61: {  	_ =	shalt  }
0x62: {  	_ =	shalt  }
0x63: {  	_ =	shalt  }
0x64: {  	_ =	shalt  }
0x65: {  	_ =	shalt  }
0x66: {  	_ =	shalt  }
0x67: {  	_ =	shalt  }
0x68: {  	_ =	shalt  }
0x69: {  	_ =	shalt  }
0x6a: {  	_ =	shalt  }
0x6b: {  	_ =	shalt  }
0x6c: {  	_ =	shalt  }
0x6d: {  	_ =	shalt  }
0x6e: {  	_ =	shalt  }
0x6f: {  	_ =	shalt  }
0x70: {  	_ =	shalt  }
0x71: {  	_ =	shalt  }
0x72: {  	_ =	shalt  }
0x73: {  	_ =	shalt  }
0x74: {  	_ =	shalt  }
0x75: {  	_ =	shalt  }
0x76: {  	_ =	shalt  }
0x77: {  	_ =	shalt  }
0x78: {  	_ =	shalt  }
0x79: {  	_ =	shalt  }
0x7a: {  	_ =	shalt  }
0x7b: {  	_ =	shalt  }
0x7c: {  	_ =	shalt  }
0x7d: {  	_ =	shalt  }
0x7e: {  	_ =	shalt  }
0x7f: {  	_ =	shalt  }
0x80: {  	_ =	shalt  }
0x81: {  	_ =	shalt  }
0x82: {  	_ =	shalt  }
0x83: {  	_ =	shalt  }
0x84: {  	_ =	shalt  }
0x85: {  	_ =	shalt  }
0x86: {  	_ =	shalt  }
0x87: {  	_ =	shalt  }
.Lfunc_end0:
.L_simem_size_0:
called_computation.1_lowered:
.L_overlay_start_0:
0x88: {  	s2 =	sld [smem:$0x3FD9]  }
0x89: {  	s3 =	sld [smem:$0x3FFE];
	_ =	sdelay $0x1  }
0x8a: {  	s1 =	srdreg.scid  }
0x8b: {  	s0 =	sand.u32 $0x1, s1  }
0x8c: {  	s17 =	sshll.u32 s0, $0xA;
	s2 =	sadd.s32 s3, s2  }
0x8d: {  	s2 =	sadd.s32 s2, s17  }
0x8e: {  	[smem:$0x3FC6] =	sst s2  }
0x8f: {  	_ = 	snop  }
0x90: {  	s2 =	sld [smem:$0x3FD0];
	(tm) =	ssettm $0x1  }
0x91: {  	s18 =	sld [smem:$0x3FFB];
	_ =	sdelay $0x3  }
0x92: {  	_ =	strace s18  }
0x93: {  	s3 =	sld [smem:$0x3FFC];
	_ =	sdelay $0x3  }
0x94: {  	_ =	strace s3  }
0x95: {  	s3 =	sld [smem:$0x3FFD];
	_ =	sdelay $0x3  }
0x96: {  	_ =	strace s3  }
0x97: {  	_ =	strace $0x8FFFFFFF  }
0x98: {  	s19 =	sld [smem:$0x3FDB];
	_ =	sdelay $0x1  }
0x99: {  	s4 =	simm.s32 $_scs_section_size  }
0x9a: {  	s5 =	simm.s32 $_size__tile_overlayer_lowered;
	s6 =	simm.s32 $_tile_overlayer_lowered  }
0x9b: {  	s22 =	simm.s32 $0x1BFF;
	s21 =	sshll.u32 s6, $0x1;
	s3 =	sadd.s32 s4, s19  }
0x9c: {  	s7 =	simm.s32 $0x0;
	s20 =	sshll.u32 s5, $0x1;
	s5 =	sadd.s32 s21, s3  }
0x9d: {  	[timem:s7], [sflag:s22] =	dma.local [hbm:s5], s20  }
0x9e: {  	_ =	swait.ge [sflag:s22], s20  }
0x9f: {  	s4 =	ssub.s32 $0x0, s20;
	[sflag:s22] =	ssyncset.done $0x0  }
0xa0: {  	[sflag:s22] =	ssyncadd.s32 s4;
	_ =	sdelay $0x1  }
0xa1: {  	s23 =	simm.s32 $0x1B8B  }
0xa2: {  	_ =	swait.ge [sflag:s23], $0x1  }
0xa3: {  	[sflag:s23] =	ssyncset.done $0x0  }
0xa4: {  	s25 =	simm.s32 $0x1B8E;
	s24 =	sld [smem:$0x3FFE];
	[sflag:s23] =	ssyncadd.s32 $0xFFFFFFFF  }
0xa5: {  	s26 =	simm.s32 $execute0_lowered;
	[smem:$0x3FD2] =	sst s25  }
0xa6: {  	s5 =	sshll.u32 s26, $0x1;
	_ =	strace $0x80000046;
	[dreg:$0x1] =	wrdreg $0xFFFFFFFF  }
0xa7: {  	s28 =	simm.s32 $_size_execute0_lowered;
	s3 =	sadd.s32 s3, s5;
	[dreg:$0x0] =	wrdreg $0x0  }
0xa8: {  	s5 =	sshll.u32 s28, $0x1;
	[dreg:$0x2] =	wrdreg s3  }
0xa9: {  	[dreg:$0x3] =	wrdreg s5  }
0xaa: {  	[dreg:$0x4] =	wrdreg $0xC0  }
0xab: {  	_ =	task [dreg:s7], $0x5FFFF  }
0xac: {  	[dreg:$0x1] =	wrdreg $0xFFFFFFFF  }
0xad: {  	[dreg:$0x0] =	wrdreg $0x60  }
0xae: {  	[dreg:$0x2] =	wrdreg s24  }
0xaf: {  	[dreg:$0x3] =	wrdreg s2  }
0xb0: {  	[dreg:$0x4] =	wrdreg $0x9  }
0xb1: {  	_ =	task.clear_ibuf [dreg:s7], $0x5FFFF;
	_ =	strace $0x90000046  }
0xb2: {  	s29 =	simm.s32 $0x9;
	_ =	strace $0x80000048  }
0xb3: {  	_ =	swait.ge [sflag:s29], $0x1  }
0xb4: {  	[sflag:s29] =	ssyncadd.s32 $0xFFFFFFFF  }
0xb5: {  	_ =	strace $0x90000048  }
0xb6: {  	_ =	sfence  }
0xb7: {  	s30 =	sld [smem:$0x0];
	_ =	sdelay $0x2  }
0xb8: {  	s31 =	sshll.u32 s1, $0xD;
	s1 =	sshrl.u32 s1, $0x2  }
0xb9: {  	s3 =	sand.u32 $0x4000, s31;
	s1 =	sadd.s32 s1, s30  }
0xba: {  	s0 =	sor.u32 s3, s0;
	s1 =	sshll.u32 s1, $0x11  }
0xbb: {  	s0 =	sor.u32 s1, s0  }
0xbc: {  	s0 =	sadd.s32 $0x8F2B, s0  }
0xbd: {  	[sflag:s0] =	ssyncadd.remote.s32 $0x1  }
0xbe: {  	_ =	sfence.sel $0xFFFF  }
0xbf: {  	[dreg:$0x0] =	wrdreg $0xFFFFFFFF;
	(pc) =	sbr.abs _section_cstart, $3  }
0xc0: {  	[dreg:$0x1] =	wrdreg $0xFFFFFFFF  }
0xc1: {  	_ =	task.clear_ibuf [dreg:s7], $0x2FFFF;
	_ =	strace $0x9FFFFFFF  }
0xc2: {  	(tm) =	ssettm $0x7FFFFFFF  }
0xc3: {  	_ =	shalt  }
tec
execute0_lowered:
.L_overlay_start_1:
0x0: {  	(tag) =	ssettag $0x1  }
0x1: {  	s0 =	rddreg [dreg:$0x0]  }
0x2: {  	s1 =	rddreg [dreg:$0x1];
	s3 =	srdreg.scid  }
0x3: {  	s2 =	simm.s32 $0x0;
	s9 =	stileid.u32;
	s13 =	simm.s32 $0x540  }
0x4: {  	s14 =	simm.s32 $0x1;
	s15 =	simm.s32 $0x32;
	s16 =	simm.s32 $0x700  }
0x5: {  	s19 =	simm.s32 $0x4;
	s28 =	simm.s32 $0x620;
	s29 =	simm.s32 $0x16500  }
0x6: {  	s30 =	simm.s32 $0x658;
	s31 =	simm.s32 $0x17180;
	s17 =	simm.s32 $0x7  }
0x7: {  	s18 =	simm.s32 $0x8;
	s4 =	sand.u32 $0x1, s3;
	[smem:$0x7FF] =	sst s2  }
0x8: {  	s20 =	sshll.u32 s9, $0xA;
	s3 =	sadd.s32 $0xF42E00, s0;
	s8 =	smul.u32 $0x1C00, s9  }
0x9: {  	s0 =	sadd.s32 $0xA00, s0;
	s24 =	smul.u32 $0x64000, s9;
	s5 =	sshll.u32 s4, $0x9  }
0xa: {  	_ =	strace $0x80000047;
	s6 =	ssub.s32 $0x2, s4;
	s21 =	smul.u32 $0xE00, s4  }
0xb: {  	s4 =	smul.u32 $0x32000, s4;
	s5 =	sor.u32 s5, s20;
	s7 =	sshrl.u32 s6, $0x1  }
0xc: {  	s26 =	sadd.s32 s24, s1;
	s1 =	simm.s32 $0x6B00;
	s5 =	smul.u32 $0x7, s5  }
0xd: {  	s24 =	simm.s32 $0xCF00;
	s20 =	simm.s32 $0x13300;
	s6 =	ssub.s32 s6, s7  }
0xe: {  	s7 =	simm.s32 $0x6C8;
	s6 =	smax.u32 s6, $0x1;
	s10 =	sadd.s32 s0, s5  }
0xf: {  	s0 =	sadd.s32 s8, s0;
	[dreg:$0x7] =	wrdreg s6;
	s5 =	simm.s32 $0x690  }
0x10: {  	s6 =	simm.s32 $0x17E00;
	s8 =	simm.s32 $0x18A80;
	s22 =	sadd.s32 $0x38, s10  }
.Ltmp0:
0x11: {  	s23 =	sadd.s32 $0x70, s10;
	[dreg:$0x3] =	wrdreg s10;
	(pc) =	sbr.rel .LBB2_1-.Ltmp0, $4  }
0x12: {  	s25 =	sadd.s32 $0xA8, s10;
	s9 =	sadd.s32 s21, s0;
	[dreg:$0x4] =	wrdreg s22  }
0x13: {  	s0 =	sadd.s32 s4, s26;
	s10 =	simm.s32 $0x5;
	[dreg:$0x5] =	wrdreg s23  }
0x14: {  	s4 =	simm.s32 $0x6;
	s21 =	simm.s32 $0x0;
	[dreg:$0x6] =	wrdreg s25  }
0x15: {  	[dreg:$0x8] =	wrdreg s0;
	s0 =	simm.s32 $0x2;
	s23 =	simm.s32 $0x3  }
.LBB2_4:
0x16: {  	s11 =	simm.s32 $0x9  }
0x17: {  	_ =	swait.ge [sflag:s11], $0x6400  }
0x18: {  	[sflag:s11] =	ssyncset.done $0x0  }
0x19: {  	s22 =	simm.s32 $0xA;
	[sflag:s11] =	ssyncadd.s32 $0xFFFF9C00  }
0x1a: {  	_ =	swait.ge [sflag:s22], $0x6400  }
0x1b: {  	[sflag:s22] =	ssyncset.done $0x0  }
0x1c: {  	s25 =	simm.s32 $0xB;
	[sflag:s22] =	ssyncadd.s32 $0xFFFF9C00  }
0x1d: {  	_ =	swait.ge [sflag:s25], $0x6400  }
0x1e: {  	[sflag:s25] =	ssyncset.done $0x0  }
0x1f: {  	s12 =	simm.s32 $0xC;
	[sflag:s25] =	ssyncadd.s32 $0xFFFF9C00  }
0x20: {  	_ =	swait.ge [sflag:s12], $0x6400  }
0x21: {  	s21 =	rddreg [dreg:$0x9]  }
0x22: {  	s26 =	rddreg [dreg:$0x7];
	s21 =	sadd.s32 $0x1, s21  }
0x23: {  	p0 =	sne.s32 s21, s26  }
.Ltmp1:
0x24: {  	_ = 	snop;
	(pc) =	sbr.rel @!p0 .LBB2_5-.Ltmp1, $3  }
0x25: {  	_ =	sdelay $0x1  }
0x26: {  	[sflag:s12] =	ssyncset.done $0x0  }
0x27: {  	[sflag:s12] =	ssyncadd.s32 $0xFFFF9C00  }
.LBB2_1:
0x28: {  	[dreg:$0x9] =	wrdreg s21  }
0x29: {  	s11 =	rddreg [dreg:$0x3]  }
0x2a: {  	s21 =	rddreg [dreg:$0x4]  }
0x2b: {  	[tilespmem:s2], [sflag:$0x1] =	stream.linear.gather [hbm4b:s11+s2], $0x1C0, $0x38;
	[tilespmem:$0x19700] =	vst v63  }
0x2c: {  	s12 =	simm.s32 $0x1C0;
	s22 =	rddreg [dreg:$0x5]  }
0x2d: {  	[tilespmem:s12], [sflag:$0x2] =	stream.linear.gather [hbm4b:s21+s2], $0x1C0, $0x38;
	[tilespmem:$0x19700] =	vst v63  }
0x2e: {  	s25 =	simm.s32 $0x380;
	s26 =	rddreg [dreg:$0x6]  }
0x2f: {  	[tilespmem:s25], [sflag:$0x3] =	stream.linear.gather [hbm4b:s22+s2], $0x1C0, $0x38;
	[tilespmem:$0x19700] =	vst v63  }
0x30: {  	s11 =	rddreg [dreg:$0x8];
	s21 =	simm.s32 $0x0  }
0x31: {  	[tilespmem:s13], [sflag:$0x4] =	stream.linear.gather [hbm4b:s26+s2], $0x1C0, $0x38;
	[tilespmem:$0x19700] =	vst v63  }
.LBB2_2:
0x32: {  	_ =	swait.ge [sflag:s14], $0x1C0  }
0x33: {  	p0 =	seq.s32 s21, $0x0;
	[sflag:s14] =	ssyncset.done $0x0  }
0x34: {  	s12 =	simm.s32 @!p0 $0x9;
	[sflag:s14] =	ssyncadd.s32 $0xFFFFFE40  }
0x35: {  	_ =	swait.ge @!p0 [sflag:s12], $0x6400  }
0x36: {  	[sflag:s12] =	ssyncset.done @!p0 $0x0  }
0x37: {  	[sflag:s12] =	ssyncadd.s32 @!p0 $0xFFFF9C00  }
0x38: {  	[tilespmem:s16], [sflag:$0x5] =	stream.indirect.gather [hbm4b:s3+s15], $0x40, s2, s15, $0xb8;
	[tilespmem:$0x19700] =	vst v63  }
0x39: {  	s26 =	simm.s32 $0x38;
	s22 =	simm.s32 $0x1380  }
0x3a: {  	[tilespmem:s22], [sflag:$0x5] =	stream.indirect.gather [hbm4b:s3+s15], $0x40, s26, s15, $0xb8;
	[tilespmem:$0x19700] =	vst v63  }
0x3b: {  	s25 =	simm.s32 $0x70;
	s26 =	simm.s32 $0x2000  }
0x3c: {  	[tilespmem:s26], [sflag:$0x5] =	stream.indirect.gather [hbm4b:s3+s15], $0x40, s25, s15, $0xb8;
	[tilespmem:$0x19700] =	vst v63  }
0x3d: {  	s25 =	simm.s32 $0xA8;
	s26 =	simm.s32 $0x2C80  }
0x3e: {  	[tilespmem:s26], [sflag:$0x5] =	stream.indirect.gather [hbm4b:s3+s15], $0x40, s25, s15, $0xb8;
	[tilespmem:$0x19700] =	vst v63  }
0x3f: {  	s25 =	simm.s32 $0xE0;
	s26 =	simm.s32 $0x3900  }
0x40: {  	[tilespmem:s26], [sflag:$0x5] =	stream.indirect.gather [hbm4b:s3+s15], $0x40, s25, s15, $0xb8;
	[tilespmem:$0x19700] =	vst v63  }
0x41: {  	s25 =	simm.s32 $0x118;
	s26 =	simm.s32 $0x4580  }
0x42: {  	[tilespmem:s26], [sflag:$0x5] =	stream.indirect.gather [hbm4b:s3+s15], $0x40, s25, s15, $0xb8;
	[tilespmem:$0x19700] =	vst v63  }
0x43: {  	s25 =	simm.s32 $0x150;
	s26 =	simm.s32 $0x5200  }
0x44: {  	[tilespmem:s26], [sflag:$0x5] =	stream.indirect.gather [hbm4b:s3+s15], $0x40, s25, s15, $0xb8;
	[tilespmem:$0x19700] =	vst v63  }
0x45: {  	s25 =	simm.s32 $0x188;
	s26 =	simm.s32 $0x5E80  }
0x46: {  	[tilespmem:s26], [sflag:$0x5] =	stream.indirect.gather [hbm4b:s3+s15], $0x40, s25, s15, $0xb8;
	[tilespmem:$0x19700] =	vst v63  }
0x47: {  	_ =	swait.ge [sflag:s0], $0x1C0  }
0x48: {  	[sflag:s0] =	ssyncset.done $0x0  }
0x49: {  	s12 =	simm.s32 @!p0 $0xA;
	[sflag:s0] =	ssyncadd.s32 $0xFFFFFE40  }
0x4a: {  	_ =	swait.ge @!p0 [sflag:s12], $0x6400  }
0x4b: {  	[sflag:s12] =	ssyncset.done @!p0 $0x0  }
0x4c: {  	s22 =	simm.s32 $0x1C0;
	[sflag:s12] =	ssyncadd.s32 @!p0 $0xFFFF9C00  }
0x4d: {  	[tilespmem:s1], [sflag:$0x6] =	stream.indirect.gather [hbm4b:s3+s15], $0x40, s22, s15, $0xb8;
	[tilespmem:$0x19700] =	vst v63  }
0x4e: {  	s25 =	simm.s32 $0x1F8;
	s26 =	simm.s32 $0x7780  }
0x4f: {  	[tilespmem:s26], [sflag:$0x6] =	stream.indirect.gather [hbm4b:s3+s15], $0x40, s25, s15, $0xb8;
	[tilespmem:$0x19700] =	vst v63  }
0x50: {  	s25 =	simm.s32 $0x230;
	s26 =	simm.s32 $0x8400  }
0x51: {  	[tilespmem:s26], [sflag:$0x6] =	stream.indirect.gather [hbm4b:s3+s15], $0x40, s25, s15, $0xb8;
	[tilespmem:$0x19700] =	vst v63  }
0x52: {  	s25 =	simm.s32 $0x268;
	s26 =	simm.s32 $0x9080  }
0x53: {  	[tilespmem:s26], [sflag:$0x6] =	stream.indirect.gather [hbm4b:s3+s15], $0x40, s25, s15, $0xb8;
	[tilespmem:$0x19700] =	vst v63  }
0x54: {  	s25 =	simm.s32 $0x2A0;
	s26 =	simm.s32 $0x9D00  }
0x55: {  	[tilespmem:s26], [sflag:$0x6] =	stream.indirect.gather [hbm4b:s3+s15], $0x40, s25, s15, $0xb8;
	[tilespmem:$0x19700] =	vst v63  }
0x56: {  	s25 =	simm.s32 $0x2D8;
	s26 =	simm.s32 $0xA980  }
0x57: {  	[tilespmem:s26], [sflag:$0x6] =	stream.indirect.gather [hbm4b:s3+s15], $0x40, s25, s15, $0xb8;
	[tilespmem:$0x19700] =	vst v63  }
0x58: {  	s25 =	simm.s32 $0x310;
	s26 =	simm.s32 $0xB600  }
0x59: {  	[tilespmem:s26], [sflag:$0x6] =	stream.indirect.gather [hbm4b:s3+s15], $0x40, s25, s15, $0xb8;
	[tilespmem:$0x19700] =	vst v63  }
0x5a: {  	s25 =	simm.s32 $0x348;
	s26 =	simm.s32 $0xC280  }
0x5b: {  	[tilespmem:s26], [sflag:$0x6] =	stream.indirect.gather [hbm4b:s3+s15], $0x40, s25, s15, $0xb8;
	[tilespmem:$0x19700] =	vst v63  }
0x5c: {  	_ =	swait.ge [sflag:s23], $0x1C0  }
0x5d: {  	[sflag:s23] =	ssyncset.done $0x0  }
0x5e: {  	s12 =	simm.s32 @!p0 $0xB;
	[sflag:s23] =	ssyncadd.s32 $0xFFFFFE40  }
0x5f: {  	_ =	swait.ge @!p0 [sflag:s12], $0x6400  }
0x60: {  	[sflag:s12] =	ssyncset.done @!p0 $0x0  }
0x61: {  	s22 =	simm.s32 $0x380;
	[sflag:s12] =	ssyncadd.s32 @!p0 $0xFFFF9C00  }
0x62: {  	[tilespmem:s24], [sflag:$0x7] =	stream.indirect.gather [hbm4b:s3+s15], $0x40, s22, s15, $0xb8;
	[tilespmem:$0x19700] =	vst v63  }
0x63: {  	s25 =	simm.s32 $0x3B8;
	s26 =	simm.s32 $0xDB80  }
0x64: {  	[tilespmem:s26], [sflag:$0x7] =	stream.indirect.gather [hbm4b:s3+s15], $0x40, s25, s15, $0xb8;
	[tilespmem:$0x19700] =	vst v63  }
0x65: {  	s25 =	simm.s32 $0x3F0;
	s26 =	simm.s32 $0xE800  }
0x66: {  	[tilespmem:s26], [sflag:$0x7] =	stream.indirect.gather [hbm4b:s3+s15], $0x40, s25, s15, $0xb8;
	[tilespmem:$0x19700] =	vst v63  }
0x67: {  	s25 =	simm.s32 $0x428;
	s26 =	simm.s32 $0xF480  }
0x68: {  	[tilespmem:s26], [sflag:$0x7] =	stream.indirect.gather [hbm4b:s3+s15], $0x40, s25, s15, $0xb8;
	[tilespmem:$0x19700] =	vst v63  }
0x69: {  	s25 =	simm.s32 $0x460;
	s26 =	simm.s32 $0x10100  }
0x6a: {  	[tilespmem:s26], [sflag:$0x7] =	stream.indirect.gather [hbm4b:s3+s15], $0x40, s25, s15, $0xb8;
	[tilespmem:$0x19700] =	vst v63  }
0x6b: {  	s25 =	simm.s32 $0x498;
	s26 =	simm.s32 $0x10D80  }
0x6c: {  	[tilespmem:s26], [sflag:$0x7] =	stream.indirect.gather [hbm4b:s3+s15], $0x40, s25, s15, $0xb8;
	[tilespmem:$0x19700] =	vst v63  }
0x6d: {  	s25 =	simm.s32 $0x4D0;
	s26 =	simm.s32 $0x11A00  }
0x6e: {  	[tilespmem:s26], [sflag:$0x7] =	stream.indirect.gather [hbm4b:s3+s15], $0x40, s25, s15, $0xb8;
	[tilespmem:$0x19700] =	vst v63  }
0x6f: {  	s25 =	simm.s32 $0x508;
	s26 =	simm.s32 $0x12680  }
0x70: {  	[tilespmem:s26], [sflag:$0x7] =	stream.indirect.gather [hbm4b:s3+s15], $0x40, s25, s15, $0xb8;
	[tilespmem:$0x19700] =	vst v63  }
0x71: {  	_ =	swait.ge [sflag:s19], $0x1C0  }
0x72: {  	[sflag:s19] =	ssyncset.done $0x0  }
0x73: {  	s12 =	simm.s32 @!p0 $0xC;
	[sflag:s19] =	ssyncadd.s32 $0xFFFFFE40  }
0x74: {  	_ =	swait.ge @!p0 [sflag:s12], $0x6400  }
0x75: {  	[sflag:s12] =	ssyncset.done @!p0 $0x0  }
0x76: {  	[sflag:s12] =	ssyncadd.s32 @!p0 $0xFFFF9C00  }
0x77: {  	[tilespmem:s20], [sflag:$0x8] =	stream.indirect.gather [hbm4b:s3+s15], $0x40, s13, s15, $0xb8;
	[tilespmem:$0x19700] =	vst v63  }
0x78: {  	s25 =	simm.s32 $0x578;
	s26 =	simm.s32 $0x13F80  }
0x79: {  	[tilespmem:s26], [sflag:$0x8] =	stream.indirect.gather [hbm4b:s3+s15], $0x40, s25, s15, $0xb8;
	[tilespmem:$0x19700] =	vst v63  }
0x7a: {  	s25 =	simm.s32 $0x5B0;
	s26 =	simm.s32 $0x14C00  }
0x7b: {  	[tilespmem:s26], [sflag:$0x8] =	stream.indirect.gather [hbm4b:s3+s15], $0x40, s25, s15, $0xb8;
	[tilespmem:$0x19700] =	vst v63  }
0x7c: {  	s22 =	simm.s32 $0x5E8;
	s25 =	simm.s32 $0x15880  }
0x7d: {  	[tilespmem:s25], [sflag:$0x8] =	stream.indirect.gather [hbm4b:s3+s15], $0x40, s22, s15, $0xb8;
	[tilespmem:$0x19700] =	vst v63  }
0x7e: {  	_ = 	snop  }
0x7f: {  	[tilespmem:s29], [sflag:$0x8] =	stream.indirect.gather [hbm4b:s3+s15], $0x40, s28, s15, $0xb8;
	[tilespmem:$0x19700] =	vst v63  }
0x80: {  	_ = 	snop  }
0x81: {  	[tilespmem:s31], [sflag:$0x8] =	stream.indirect.gather [hbm4b:s3+s15], $0x40, s30, s15, $0xb8;
	[tilespmem:$0x19700] =	vst v63  }
0x82: {  	_ = 	snop  }
0x83: {  	[tilespmem:s6], [sflag:$0x8] =	stream.indirect.gather [hbm4b:s3+s15], $0x40, s5, s15, $0xb8;
	[tilespmem:$0x19700] =	vst v63  }
0x84: {  	_ = 	snop  }
0x85: {  	[tilespmem:s8], [sflag:$0x8] =	stream.indirect.gather [hbm4b:s3+s15], $0x40, s7, s15, $0xb8;
	[tilespmem:$0x19700] =	vst v63  }
0x86: {  	_ =	swait.ge [sflag:s10], $0xC80  }
0x87: {  	[sflag:s10] =	ssyncset.done $0x0  }
0x88: {  	[sflag:s10] =	ssyncadd.s32 $0xFFFFF380  }
0x89: {  	_ =	swait.ge [sflag:s10], $0xC80  }
0x8a: {  	[sflag:s10] =	ssyncset.done $0x0  }
0x8b: {  	[sflag:s10] =	ssyncadd.s32 $0xFFFFF380  }
0x8c: {  	_ =	swait.ge [sflag:s10], $0xC80  }
0x8d: {  	[sflag:s10] =	ssyncset.done $0x0  }
0x8e: {  	[sflag:s10] =	ssyncadd.s32 $0xFFFFF380  }
0x8f: {  	_ =	swait.ge [sflag:s10], $0xC80  }
0x90: {  	[sflag:s10] =	ssyncset.done $0x0  }
0x91: {  	[sflag:s10] =	ssyncadd.s32 $0xFFFFF380  }
0x92: {  	_ =	swait.ge [sflag:s10], $0xC80  }
0x93: {  	[sflag:s10] =	ssyncset.done $0x0  }
0x94: {  	[sflag:s10] =	ssyncadd.s32 $0xFFFFF380  }
0x95: {  	_ =	swait.ge [sflag:s10], $0xC80  }
0x96: {  	[sflag:s10] =	ssyncset.done $0x0  }
0x97: {  	[sflag:s10] =	ssyncadd.s32 $0xFFFFF380  }
0x98: {  	_ =	swait.ge [sflag:s10], $0xC80  }
0x99: {  	[sflag:s10] =	ssyncset.done $0x0  }
0x9a: {  	[sflag:s10] =	ssyncadd.s32 $0xFFFFF380  }
0x9b: {  	_ =	swait.ge [sflag:s10], $0xC80  }
0x9c: {  	p0 =	seq.s32 s21, $0xD20;
	[sflag:s10] =	ssyncset.done $0x0  }
0x9d: {  	s12 =	sadd.s32 @!p0 s21, s9;
	[sflag:s10] =	ssyncadd.s32 $0xFFFFF380  }
0x9e: {  	[hbm4b:s11+s2] =	stream.linear.scatter [tilespmem:s16], [sflag:$0x9], $0x6400, $0x38;
	[tilespmem:$0x19700] =	vst v63  }
0x9f: {  	s22 =	sadd.s32 @!p0 $0xE0, s12;
	s25 =	simm.s32 @!p0 $0x0  }
0xa0: {  	[tilespmem:s25], [sflag:$0x1] =	stream.linear.gather @!p0 [hbm4b:s22+s25], $0x1C0, $0x38;
	[tilespmem:$0x19700] =	vst v63  }
0xa1: {  	_ =	swait.ge [sflag:s4], $0xC80  }
0xa2: {  	[sflag:s4] =	ssyncset.done $0x0  }
0xa3: {  	[sflag:s4] =	ssyncadd.s32 $0xFFFFF380  }
0xa4: {  	_ =	swait.ge [sflag:s4], $0xC80  }
0xa5: {  	[sflag:s4] =	ssyncset.done $0x0  }
0xa6: {  	[sflag:s4] =	ssyncadd.s32 $0xFFFFF380  }
0xa7: {  	_ =	swait.ge [sflag:s4], $0xC80  }
0xa8: {  	[sflag:s4] =	ssyncset.done $0x0  }
0xa9: {  	[sflag:s4] =	ssyncadd.s32 $0xFFFFF380  }
0xaa: {  	_ =	swait.ge [sflag:s4], $0xC80  }
0xab: {  	[sflag:s4] =	ssyncset.done $0x0  }
0xac: {  	[sflag:s4] =	ssyncadd.s32 $0xFFFFF380  }
0xad: {  	_ =	swait.ge [sflag:s4], $0xC80  }
0xae: {  	[sflag:s4] =	ssyncset.done $0x0  }
0xaf: {  	[sflag:s4] =	ssyncadd.s32 $0xFFFFF380  }
0xb0: {  	_ =	swait.ge [sflag:s4], $0xC80  }
0xb1: {  	[sflag:s4] =	ssyncset.done $0x0  }
0xb2: {  	[sflag:s4] =	ssyncadd.s32 $0xFFFFF380  }
0xb3: {  	_ =	swait.ge [sflag:s4], $0xC80  }
0xb4: {  	[sflag:s4] =	ssyncset.done $0x0  }
0xb5: {  	[sflag:s4] =	ssyncadd.s32 $0xFFFFF380  }
0xb6: {  	_ =	swait.ge [sflag:s4], $0xC80  }
0xb7: {  	[sflag:s4] =	ssyncset.done $0x0  }
0xb8: {  	s26 =	sadd.s32 $0xC80, s11;
	[sflag:s4] =	ssyncadd.s32 $0xFFFFF380  }
0xb9: {  	[hbm4b:s26+s2] =	stream.linear.scatter [tilespmem:s1], [sflag:$0xA], $0x6400, $0x38;
	[tilespmem:$0x19700] =	vst v63  }
0xba: {  	s22 =	sadd.s32 @!p0 $0x118, s12;
	s26 =	simm.s32 @!p0 $0x1C0  }
0xbb: {  	[tilespmem:s26], [sflag:$0x2] =	stream.linear.gather @!p0 [hbm4b:s22+s25], $0x1C0, $0x38;
	[tilespmem:$0x19700] =	vst v63  }
0xbc: {  	_ =	swait.ge [sflag:s17], $0xC80  }
0xbd: {  	[sflag:s17] =	ssyncset.done $0x0  }
0xbe: {  	[sflag:s17] =	ssyncadd.s32 $0xFFFFF380  }
0xbf: {  	_ =	swait.ge [sflag:s17], $0xC80  }
0xc0: {  	[sflag:s17] =	ssyncset.done $0x0  }
0xc1: {  	[sflag:s17] =	ssyncadd.s32 $0xFFFFF380  }
0xc2: {  	_ =	swait.ge [sflag:s17], $0xC80  }
0xc3: {  	[sflag:s17] =	ssyncset.done $0x0  }
0xc4: {  	[sflag:s17] =	ssyncadd.s32 $0xFFFFF380  }
0xc5: {  	_ =	swait.ge [sflag:s17], $0xC80  }
0xc6: {  	[sflag:s17] =	ssyncset.done $0x0  }
0xc7: {  	[sflag:s17] =	ssyncadd.s32 $0xFFFFF380  }
0xc8: {  	_ =	swait.ge [sflag:s17], $0xC80  }
0xc9: {  	[sflag:s17] =	ssyncset.done $0x0  }
0xca: {  	[sflag:s17] =	ssyncadd.s32 $0xFFFFF380  }
0xcb: {  	_ =	swait.ge [sflag:s17], $0xC80  }
0xcc: {  	[sflag:s17] =	ssyncset.done $0x0  }
0xcd: {  	[sflag:s17] =	ssyncadd.s32 $0xFFFFF380  }
0xce: {  	_ =	swait.ge [sflag:s17], $0xC80  }
0xcf: {  	[sflag:s17] =	ssyncset.done $0x0  }
0xd0: {  	[sflag:s17] =	ssyncadd.s32 $0xFFFFF380  }
0xd1: {  	_ =	swait.ge [sflag:s17], $0xC80  }
0xd2: {  	[sflag:s17] =	ssyncset.done $0x0  }
0xd3: {  	s26 =	sadd.s32 $0x1900, s11;
	[sflag:s17] =	ssyncadd.s32 $0xFFFFF380  }
0xd4: {  	[hbm4b:s26+s2] =	stream.linear.scatter [tilespmem:s24], [sflag:$0xB], $0x6400, $0x38;
	[tilespmem:$0x19700] =	vst v63  }
0xd5: {  	s12 =	sadd.s32 @!p0 $0x150, s12;
	s22 =	simm.s32 @!p0 $0x380  }
0xd6: {  	[tilespmem:s22], [sflag:$0x3] =	stream.linear.gather @!p0 [hbm4b:s12+s25], $0x1C0, $0x38;
	[tilespmem:$0x19700] =	vst v63  }
0xd7: {  	_ =	swait.ge [sflag:s18], $0xC80  }
0xd8: {  	[sflag:s18] =	ssyncset.done $0x0  }
0xd9: {  	[sflag:s18] =	ssyncadd.s32 $0xFFFFF380  }
0xda: {  	_ =	swait.ge [sflag:s18], $0xC80  }
0xdb: {  	[sflag:s18] =	ssyncset.done $0x0  }
0xdc: {  	[sflag:s18] =	ssyncadd.s32 $0xFFFFF380  }
0xdd: {  	_ =	swait.ge [sflag:s18], $0xC80  }
0xde: {  	[sflag:s18] =	ssyncset.done $0x0  }
0xdf: {  	[sflag:s18] =	ssyncadd.s32 $0xFFFFF380  }
0xe0: {  	_ =	swait.ge [sflag:s18], $0xC80  }
0xe1: {  	[sflag:s18] =	ssyncset.done $0x0  }
0xe2: {  	[sflag:s18] =	ssyncadd.s32 $0xFFFFF380  }
0xe3: {  	_ =	swait.ge [sflag:s18], $0xC80  }
0xe4: {  	[sflag:s18] =	ssyncset.done $0x0  }
0xe5: {  	[sflag:s18] =	ssyncadd.s32 $0xFFFFF380  }
0xe6: {  	_ =	swait.ge [sflag:s18], $0xC80  }
0xe7: {  	[sflag:s18] =	ssyncset.done $0x0  }
0xe8: {  	[sflag:s18] =	ssyncadd.s32 $0xFFFFF380  }
0xe9: {  	_ =	swait.ge [sflag:s18], $0xC80  }
0xea: {  	[sflag:s18] =	ssyncset.done $0x0  }
.Ltmp2:
0xeb: {  	[sflag:s18] =	ssyncadd.s32 $0xFFFFF380;
	(pc) =	sbr.rel @p0 .LBB2_4-.Ltmp2, $4  }
0xec: {  	_ =	swait.ge [sflag:s18], $0xC80  }
0xed: {  	[sflag:s18] =	ssyncset.done $0x0  }
0xee: {  	s26 =	sadd.s32 $0x2580, s11;
	[sflag:s18] =	ssyncadd.s32 $0xFFFFF380  }
0xef: {  	[hbm4b:s26+s2] =	stream.linear.scatter [tilespmem:s20], [sflag:$0xC], $0x6400, $0x38;
	[tilespmem:$0x19700] =	vst v63  }
.Ltmp3:
0xf0: {  	(pc) =	sbr.rel .LBB2_2-.Ltmp3, $4  }
0xf1: {  	_ = 	snop  }
0xf2: {  	s12 =	sadd.s32 s21, s9  }
0xf3: {  	s21 =	sadd.s32 $0xE0, s21;
	s11 =	sadd.s32 $0x3200, s11;
	s12 =	sadd.s32 $0x188, s12  }
0xf4: {  	[tilespmem:s13], [sflag:$0x4] =	stream.linear.gather [hbm4b:s12+s2], $0x1C0, $0x38;
	[tilespmem:$0x19700] =	vst v63  }
.LBB2_5:
0xf5: {  	_ =	sfence.sel $0x180000  }
0xf6: {  	[bflag:$0x0] =	sbarrier.arrive $0xFFFF  }
0xf7: {  	_ =	strace $0x90000047  }
0xf8: {  	s0 =	stileid.u32;
	[bflag:$0x2] =	sbarrier.arrive $0xFFFF  }
0xf9: {  	p0 =	sne.s32 s0, $0x0;
	s0 =	rddreg [dreg:$0x2]  }
0xfa: {  	s0 =	sadd.s32 @!p0 $0x100000, s0  }
0xfb: {  	[sflag:s0] =	ssyncadd.tile.s32 @!p0 $0x1;
	_ =	shalt  }
.Lfunc_end2:
_tile_overlayer_lowered:
.L_overlay_start_2:
0xfc: {  	(tag) =	ssettag $0x2  }
0xfd: {  	s0 =	rddreg [dreg:$0x0];
	s2 =	stileid.u32  }
0xfe: {  	s1 =	rddreg [dreg:$0x1];
	p0 =	sne.s32 s2, $0x0  }
0xff: {  	s3 =	rddreg [dreg:$0x2];
	[bflag:$0x3] =	sbarrier.arrive $0xFFFF;
	s2 =	simm.s32 @!p0 $0x1C0D  }
0x100: {  	[timem:s3], [sflag:s2] =	dma.local @!p0 [hbm:s0], s1  }
0x101: {  	s0 =	simm.s32 @!p0 $0xD  }
0x102: {  	_ =	swait.ge @!p0 [sflag:s0], s1  }
0x103: {  	s1 =	ssub.s32 @!p0 $0x0, s1;
	[sflag:s0] =	ssyncset.done @!p0 $0x0  }
0x104: {  	[sflag:s0] =	ssyncadd.s32 @!p0 s1  }
0x105: {  	[bflag:$0x3] =	sbarrier.arrive $0xFFFF  }
0x106: {  	_ =	shalt  }

// kernel: sparse-core-data-format-call.cloned.1.call-start
scs
called_computation_lowered:
.L_overlay_start_0:
0x0: {  	s2 =	sld [smem:$0x3FD9]  }
0x1: {  	s3 =	sld [smem:$0x3FFE];
	_ =	sdelay $0x1  }
0x2: {  	s1 =	srdreg.scid  }
0x3: {  	s0 =	sand.u32 $0x1, s1  }
0x4: {  	s18 =	sshll.u32 s0, $0xA;
	s2 =	sadd.s32 s3, s2  }
0x5: {  	s2 =	sadd.s32 s2, s18  }
0x6: {  	[smem:$0x3FC6] =	sst s2  }
0x7: {  	_ = 	snop  }
0x8: {  	s2 =	sld [smem:$0x3FD0];
	(tm) =	ssettm $0x1  }
0x9: {  	s19 =	sld [smem:$0x3FFB];
	_ =	sdelay $0x3  }
0xa: {  	_ =	strace s19  }
0xb: {  	s3 =	sld [smem:$0x3FFC];
	_ =	sdelay $0x3  }
0xc: {  	_ =	strace s3  }
0xd: {  	s3 =	sld [smem:$0x3FFD];
	_ =	sdelay $0x3  }
0xe: {  	_ =	strace s3  }
0xf: {  	_ =	strace $0x8FFFFFFF  }
0x10: {  	s20 =	sld [smem:$0x3FDB];
	_ =	sdelay $0x1  }
0x11: {  	s4 =	simm.s32 $_scs_section_size  }
0x12: {  	s5 =	simm.s32 $_size__tile_overlayer_lowered;
	s6 =	simm.s32 $_tile_overlayer_lowered  }
0x13: {  	s23 =	simm.s32 $0x1BFF;
	s22 =	sshll.u32 s6, $0x1;
	s3 =	sadd.s32 s4, s20  }
0x14: {  	s7 =	simm.s32 $0x0;
	s21 =	sshll.u32 s5, $0x1;
	s5 =	sadd.s32 s22, s3  }
0x15: {  	[timem:s7], [sflag:s23] =	dma.local [hbm:s5], s21  }
0x16: {  	_ =	swait.ge [sflag:s23], s21  }
0x17: {  	s4 =	ssub.s32 $0x0, s21;
	[sflag:s23] =	ssyncset.done $0x0  }
0x18: {  	[sflag:s23] =	ssyncadd.s32 s4;
	_ =	sdelay $0x1  }
0x19: {  	s24 =	simm.s32 $0x1B8B  }
0x1a: {  	_ =	swait.ge [sflag:s24], $0x1  }
0x1b: {  	[sflag:s24] =	ssyncset.done $0x0  }
0x1c: {  	s26 =	simm.s32 $0x1B8E;
	s25 =	sld [smem:$0x3FFE];
	[sflag:s24] =	ssyncadd.s32 $0xFFFFFFFF  }
0x1d: {  	s27 =	simm.s32 $execute0_lowered;
	[smem:$0x3FD2] =	sst s26  }
0x1e: {  	s5 =	sshll.u32 s27, $0x1;
	_ =	strace $0x80000049;
	[dreg:$0x1] =	wrdreg $0xFFFFFFFF  }
0x1f: {  	s28 =	simm.s32 $_size_execute0_lowered;
	s3 =	sadd.s32 s3, s5;
	[dreg:$0x0] =	wrdreg $0x0  }
0x20: {  	s5 =	sshll.u32 s28, $0x1;
	[dreg:$0x2] =	wrdreg s3  }
0x21: {  	[dreg:$0x3] =	wrdreg s5  }
0x22: {  	[dreg:$0x4] =	wrdreg $0xC0  }
0x23: {  	_ =	task [dreg:s7], $0x5FFFF  }
0x24: {  	[dreg:$0x1] =	wrdreg $0xFFFFFFFF  }
0x25: {  	[dreg:$0x0] =	wrdreg $0x60  }
0x26: {  	[dreg:$0x2] =	wrdreg s25  }
0x27: {  	[dreg:$0x3] =	wrdreg s2  }
0x28: {  	[dreg:$0x4] =	wrdreg $0x9  }
0x29: {  	_ =	task.clear_ibuf [dreg:s7], $0x5FFFF;
	_ =	strace $0x90000049  }
0x2a: {  	s29 =	simm.s32 $0x9;
	_ =	strace $0x8000004B  }
0x2b: {  	_ =	swait.ge [sflag:s29], $0x1  }
0x2c: {  	[sflag:s29] =	ssyncadd.s32 $0xFFFFFFFF  }
0x2d: {  	_ =	strace $0x9000004B  }
0x2e: {  	_ =	sfence  }
0x2f: {  	s30 =	sld [smem:$0x0];
	_ =	sdelay $0x2  }
0x30: {  	s31 =	sshll.u32 s1, $0xD;
	s1 =	sshrl.u32 s1, $0x2  }
0x31: {  	s3 =	sand.u32 $0x4000, s31;
	s1 =	sadd.s32 s1, s30  }
0x32: {  	s0 =	sor.u32 s3, s0;
	s1 =	sshll.u32 s1, $0x11  }
0x33: {  	s0 =	sor.u32 s1, s0  }
0x34: {  	s0 =	sadd.s32 $0x8F2B, s0  }
0x35: {  	[sflag:s0] =	ssyncadd.remote.s32 $0x1  }
0x36: {  	_ =	sfence.sel $0xFFFF  }
0x37: {  	[dreg:$0x0] =	wrdreg $0xFFFFFFFF;
	(pc) =	sbr.abs _section_cstart, $3  }
0x38: {  	[dreg:$0x1] =	wrdreg $0xFFFFFFFF  }
0x39: {  	_ =	task.clear_ibuf [dreg:s7], $0x2FFFF;
	_ =	strace $0x9FFFFFFF  }
0x3a: {  	(tm) =	ssettm $0x7FFFFFFF  }
0x3b: {  	_ =	shalt  }
tec
execute0_lowered:
.L_overlay_start_1:
0x0: {  	(tag) =	ssettag $0x1  }
0x1: {  	s0 =	srdreg.scid  }
0x2: {  	s1 =	sshll.u32 s0, $0x4  }
0x3: {  	s0 =	stileid.u32;
	s1 =	sand.u32 $0x10, s1  }
0x4: {  	s1 =	sor.u32 s0, s1  }
0x5: {  	s6 =	rddreg [dreg:$0x0];
	s4 =	simm.s32 $0x1;
	s2 =	sshll.u32 s1, $0x7  }
0x6: {  	s7 =	simm.s32 $0x2;
	s12 =	simm.s32 $0x0;
	s1 =	ssub.s32 $0x4000, s2  }
0x7: {  	s8 =	simm.s32 $0x20000;
	s13 =	simm.s32 $0x0;
	s3 =	sand.u32 $0xF80, s1  }
0x8: {  	s9 =	simm.s32 $0x0;
	s5 =	sshrl.u32 s1, $0xC;
	p0 =	sne.s32 s3, $0x0  }
.Ltmp0:
0x9: {  	s1 =	rddreg [dreg:$0x2];
	s4 =	simm.s32 @!p0 $0x0;
	(pc) =	sbr.rel .LBB1_1-.Ltmp0, $4  }
0xa: {  	s11 =	simm.s32 $0x0;
	s3 =	rddreg [dreg:$0x1];
	s5 =	sadd.s32 s4, s5  }
0xb: {  	_ =	strace $0x8000004A;
	s4 =	simm.s32 $0x1;
	s5 =	smul.u32 $0x32, s5  }
0xc: {  	s6 =	sadd.s32 $0xA00, s6;
	s10 =	smov.u32 s2;
	[sflag:s4] =	ssyncpa.u1 $0x0  }
0xd: {  	p0 =	por $0x0, $0x0;
	[sflag:s7] =	ssyncpa.u1 $0x0;
	s7 =	sor.u32 $0x1, s5  }
.LBB1_4:
0xe: {  	s16 =	sshll.u32 s13, $0x3;
	s17 =	sand.u32 $0x78, s13  }
0xf: {  	s30 =	sand.u32 $0x1F800, s13;
	s12 =	sshll.u32 s12, $0x11;
	s16 =	sand.u32 $0x3C00, s16  }
0x10: {  	[tilespmem:s15+$0x810 ss:$0x81] =	vst.msk $0xffff, v2;
	s31 =	sand.u32 $0x7, s13;
	s16 =	sor.u32 s17, s16;
	s17 =	sadd.s32 s3, s30  }
0x11: {  	[tilespmem:s15+$0x1020 ss:$0x81] =	vst.msk $0xffff, v0;
	s13 =	sshll.u32 s31, $0x12;
	s12 =	sadd.s32 s12, s17;
	s16 =	sshrl.u32 s16, $0x3  }
0x12: {  	[tilespmem:s15+$0x0 ss:$0x81] =	vst.msk $0xffff, v1;
	s13 =	sor.u32 $0x400, s13;
	s12 =	sadd.s32 s16, s12  }
0x13: {  	[hbm4b:s12+s13] =	stream.strided.scatter [tilespmem:s14], [sflag:$0x2], $0x2000, s8, s13, $0x20;
	[tilespmem:$0x8080] =	vst v63  }
.LBB1_5:
0x14: {  	s14 =	sadd.s32 $0x1, s9  }
0x15: {  	s12 =	sadd.s32 $0x1000, s10;
	s16 =	smov.u32 s10;
	p2 =	sgt.s32 s14, $0x31  }
0x16: {  	s16 =	smov.u32 @p2 s12  }
0x17: {  	s14 =	simm.s32 @p2 $0x0;
	p2 =	sgt.s32 s16, $0x3FFF  }
0x18: {  	s16 =	smov.u32 @p2 s2;
	p2 =	sne.s32 s11, s7  }
.Ltmp1:
0x19: {  	p1 =	slt.u32 s11, $0x2;
	(pc) =	sbr.rel @!p2 .LBB1_6-.Ltmp1, $4  }
0x1a: {  	s15 =	simm.s32 @!p1 $0x2  }
0x1b: {  	s13 =	smov.u32 s10;
	p0 =	por !p0, !p0;
	_ =	swait.ge @!p1 [sflag:s15], $0x2000  }
0x1c: {  	s12 =	smov.u32 s9;
	[sflag:s15] =	ssyncset.done @!p1 $0x0;
	s9 =	smov.u32 s14  }
0x1d: {  	s11 =	sadd.s32 $0x1, s11;
	[sflag:s15] =	ssyncadd.s32 @!p1 $0xFFFFE000;
	s10 =	smov.u32 s16  }
.LBB1_1:
0x1e: {  	p1 =	sge.u32 s11, s5  }
0x1f: {  	s14 =	sand.u32 @!p1 $0x1FFFFFF, s9  }
0x20: {  	s15 =	smulhi.u32 @!p1 $0x4924925, s14;
	_ =	sdelay $0x1  }
0x21: {  	s15 =	smul.u32 @!p1 $0x38, s15  }
0x22: {  	s16 =	sxor.u32 @!p1 $0xFFFFFFFF, s11;
	s17 =	smul.u32 @!p1 $0x380, s10  }
0x23: {  	s31 =	sadd.s32 $0xFFFFFFFF, s11;
	s16 =	sshll.u32 @!p1 s16, $0xD;
	s14 =	ssub.s32 @!p1 s14, s15  }
0x24: {  	s15 =	sand.u32 @!p1 $0x2000, s16;
	s16 =	sadd.s32 @!p1 s6, s17;
	s14 =	sshll.u32 @!p1 s14, $0x4  }
0x25: {  	s17 =	simm.s32 @!p1 $0x1C00;
	s14 =	sadd.s32 @!p1 s14, s16;
	s16 =	simm.s32 @!p1 $0x40  }
0x26: {  	[tilespmem:s15], [sflag:$0x1] =	stream.strided.gather @!p1 [hbm4b:s14+s16], $0x2000, s17, s16, $0x38;
	[tilespmem:$0x8080] =	vst v63  }
0x27: {  	p1 =	sge.u32 s31, s5  }
.Ltmp2:
0x28: {  	_ = 	snop;
	(pc) =	sbr.rel @p1 .LBB1_5-.Ltmp2, $1  }
0x29: {  	_ =	sdelay $0x3  }
0x2a: {  	s14 =	simm.s32 $0x1  }
0x2b: {  	_ =	swait.ge [sflag:s4], $0x2000;
	s14 =	simm.s32 @!p0 $0x0  }
0x2c: {  	[sflag:s4] =	ssyncset.done $0x0;
	s15 =	sshll.u32 s14, $0xD  }
0x2d: {  	[sflag:s4] =	ssyncadd.s32 $0xFFFFE000;
	s18 =	sor.u32 $0x20, s15  }
0x2e: {  	s14 =	smul.u32 $0x8100, s14;
	v3 =	vld [tilespmem:s18+$0x10]  }
0x2f: {  	s30 =	sand.u32 $0x1, s11;
	v2 =	vld [tilespmem:s18+$0xFFFFFFF0]  }
0x30: {  	s15 =	smul.u32 $0x8100, s30;
	s14 =	sshrl.u32 s14, $0x2;
	v0 =	vld [tilespmem:s18+$0x0]  }
0x31: {  	v1 =	vld [tilespmem:s18+$0xFFFFFFE0];
	s16 =	sor.u32 $0x4000, s14  }
0x32: {  	s31 =	sshrl.u32 s15, $0x2;
	s15 =	sadd.s32 $0x0, s16  }
0x33: {  	s17 =	simm.s32 $0x4;
	s18 =	sadd.s32 $0x40, s18;
	s14 =	sor.u32 $0x4000, s31;
	[tilespmem:s15+$0x1830 ss:$0x81] =	vst.msk $0xffff, v3  }
.LBB1_3:
0x34: {  	v3 =	vld [tilespmem:s18+$0x10];
	p1 =	sne.s32 s17, $0x1FC;
	[tilespmem:s15+$0x810 ss:$0x81] =	vst.msk $0xffff, v2;
	s19 =	smov.u32 s17;
	s17 =	sadd.s32 $0x4, s17  }
.Ltmp3:
0x35: {  	v2 =	vld [tilespmem:s18+$0xFFFFFFF0];
	[tilespmem:s15+$0x1020 ss:$0x81] =	vst.msk $0xffff, v0;
	(pc) =	sbr.rel @p1 .LBB1_3-.Ltmp3, $4  }
0x36: {  	v0 =	vld [tilespmem:s18+$0x0];
	[tilespmem:s15+$0x0 ss:$0x81] =	vst.msk $0xffff, v1  }
0x37: {  	s15 =	sshra.s32 s19, $0x2;
	v1 =	vld [tilespmem:s18+$0xFFFFFFE0]  }
0x38: {  	s15 =	sadd.s32 s15, s16  }
0x39: {  	s18 =	sadd.s32 $0x40, s18;
	[tilespmem:s15+$0x1830 ss:$0x81] =	vst.msk $0xffff, v3  }
.Ltmp4:
0x3a: {  	_ = 	snop;
	(pc) =	sbr.rel .LBB1_4-.Ltmp4, $1  }
0x3b: {  	_ =	sdelay $0x3  }
.LBB1_6:
0x3c: {  	_ =	sfence.sel $0x180000  }
0x3d: {  	s2 =	simm.s32 $0x1;
	[bflag:$0x0] =	sbarrier.arrive $0xFFFF  }
0x3e: {  	s31 =	simm.s32 $0x2;
	[sflag:s2] =	ssyncpa.u1 $0x1  }
0x3f: {  	[sflag:s31] =	ssyncpa.u1 $0x1  }
0x40: {  	p0 =	sne.s32 s0, $0x0;
	_ =	strace $0x9000004A  }
0x41: {  	s0 =	sadd.s32 @!p0 $0x100000, s1;
	[bflag:$0x2] =	sbarrier.arrive $0xFFFF  }
0x42: {  	[sflag:s0] =	ssyncadd.tile.s32 @!p0 $0x1;
	_ =	shalt  }
.Lfunc_end1:
_tile_overlayer_lowered:
.L_overlay_start_2:
0x43: {  	(tag) =	ssettag $0x2  }
0x44: {  	s0 =	rddreg [dreg:$0x0];
	s2 =	stileid.u32  }
0x45: {  	s1 =	rddreg [dreg:$0x1];
	p0 =	sne.s32 s2, $0x0  }
0x46: {  	s3 =	rddreg [dreg:$0x2];
	[bflag:$0x3] =	sbarrier.arrive $0xFFFF;
	s2 =	simm.s32 @!p0 $0x1C01  }
0x47: {  	[timem:s3], [sflag:s2] =	dma.local @!p0 [hbm:s0], s1  }
0x48: {  	s0 =	simm.s32 @!p0 $0x1  }
0x49: {  	_ =	swait.ge @!p0 [sflag:s0], s1  }
0x4a: {  	s1 =	ssub.s32 @!p0 $0x0, s1;
	[sflag:s0] =	ssyncset.done @!p0 $0x0  }
0x4b: {  	[sflag:s0] =	ssyncadd.s32 @!p0 s1  }
0x4c: {  	[bflag:$0x3] =	sbarrier.arrive $0xFFFF  }
0x4d: {  	_ =	shalt  }

</sc_bundles>
